<compile_context>
chip_gen: v7x
topology: tpu7x:2x2x1
jax: 0.10.2.dev20260603
libtpu: 0.0.44.dev20260713+nightly
codegen_flags: <defaults>
</compile_context>

<pallas_src>
import functools

import jax
import jax.numpy as jnp
from jax import lax
from jax.experimental import pallas as pl
from jax.experimental.pallas import tpu as pltpu
from jax.experimental.pallas import tpu_sc as plsc

N_NODES = 10000
N_EDGES = 320000
EMB = 128

NC = 2
NS = 16
NW = NC * NS

EPT = N_EDGES // NW
K = 100
NCHUNK = EPT // K
WB = 80
N_PAD = 10240
RPT = N_PAD // NS


def _mlp_body(x_ref, w1_ref, b1_ref, w2_ref, b2_ref, o_ref):
    h = jnp.dot(x_ref[...], w1_ref[...], preferred_element_type=jnp.float32)
    h = jnp.maximum(h + b1_ref[...], 0.0)
    h = jnp.dot(h, w2_ref[...], preferred_element_type=jnp.float32)
    o_ref[...] = jnp.maximum(h + b2_ref[...], 0.0)


def _mlp(X, W1, b1, W2, b2):
    blk = 2000
    grid = (N_NODES // blk,)
    return pl.pallas_call(
        _mlp_body,
        grid=grid,
        in_specs=[
            pl.BlockSpec((blk, EMB), lambda i: (i, 0)),
            pl.BlockSpec((EMB, EMB), lambda i: (0, 0)),
            pl.BlockSpec((1, EMB), lambda i: (0, 0)),
            pl.BlockSpec((EMB, EMB), lambda i: (0, 0)),
            pl.BlockSpec((1, EMB), lambda i: (0, 0)),
        ],
        out_specs=pl.BlockSpec((blk, EMB), lambda i: (i, 0)),
        out_shape=jax.ShapeDtypeStruct((N_NODES, EMB), jnp.float32),
    )(X, W1, b1, W2, b2)


@functools.partial(
    pl.kernel,
    mesh=plsc.VectorSubcoreMesh(core_axis_name="c", subcore_axis_name="s"),
    out_type=jax.ShapeDtypeStruct((NC, N_PAD, EMB), jnp.float32),
    scratch_types=[
        pltpu.VMEM((2, K), jnp.int32),
        pltpu.VMEM((2, K), jnp.int32),
        pltpu.VMEM((2, K), jnp.int32),
        pltpu.VMEM((2, K), jnp.int32),
        pltpu.VMEM((K, EMB), jnp.float32),
        pltpu.VMEM((K, EMB), jnp.float32),
        pltpu.VMEM_SHARED((N_PAD, EMB), jnp.float32),
        pltpu.SemaphoreType.DMA,
        pltpu.SemaphoreType.DMA,
        pltpu.SemaphoreType.DMA,
        pltpu.SemaphoreType.DMA,
    ],
)
def _scatter_kernel(h_hbm, idx_hbm, out_hbm,
                    sxA, dxA, sxB, dxB, rows0, rows1, acc, siA, siB, sg0, sg1):
    c = lax.axis_index("c")
    s = lax.axis_index("s")
    wid = c * NS + s

    zero16 = jnp.zeros((16,), jnp.float32)

    def zero_row(r, carry):
        for j in range(EMB // 16):
            rows0[r, pl.ds(j * 16, 16)] = zero16
        return carry

    lax.fori_loop(0, WB, zero_row, 0)
    zsrc = rows0.at[pl.ds(0, WB)]
    for j in range(RPT // WB):
        pltpu.async_copy(zsrc, acc.at[pl.ds(s * RPT + j * WB, WB)], sg0)
    for j in range(RPT // WB):
        pltpu.make_async_copy(zsrc, acc.at[pl.ds(s * RPT + j * WB, WB)],
                              sg0).wait()
    plsc.subcore_barrier()

    last_pair = NCHUNK - 2

    def start_pair(i, sx, dx, sem):
        pltpu.async_copy(idx_hbm.at[0, wid, pl.ds(i, 2)], sx, sem)
        pltpu.async_copy(idx_hbm.at[1, wid, pl.ds(i, 2)], dx, sem)

    def wait_pair(sx, dx, sem):
        pltpu.make_async_copy(idx_hbm.at[0, wid, pl.ds(0, 2)], sx, sem).wait()
        pltpu.make_async_copy(idx_hbm.at[1, wid, pl.ds(0, 2)], dx, sem).wait()

    def start_gather(isrc, buf, sem):
        pltpu.async_copy(h_hbm.at[isrc], buf, sem)

    def wait_gather(isrc, buf, sem):
        pltpu.make_async_copy(h_hbm.at[isrc], buf, sem).wait()

    def scatter(idst, buf):
        pltpu.sync_copy(buf, acc.at[idst], add=True)

    start_pair(0, sxA, dxA, siA)
    start_pair(2, sxB, dxB, siB)
    wait_pair(sxA, dxA, siA)
    start_gather(sxA.at[0], rows0, sg0)
    start_gather(sxA.at[1], rows1, sg1)

    def quad(g, carry):
        q = 4 * g
        wait_pair(sxB, dxB, siB)
        wait_gather(sxA.at[0], rows0, sg0)
        scatter(dxA.at[0], rows0)
        start_gather(sxB.at[0], rows0, sg0)
        wait_gather(sxA.at[1], rows1, sg1)
        scatter(dxA.at[1], rows1)
        start_gather(sxB.at[1], rows1, sg1)
        start_pair(jnp.minimum(q + 4, last_pair), sxA, dxA, siA)
        wait_gather(sxB.at[0], rows0, sg0)
        scatter(dxB.at[0], rows0)
        wait_pair(sxA, dxA, siA)
        start_gather(sxA.at[0], rows0, sg0)
        wait_gather(sxB.at[1], rows1, sg1)
        scatter(dxB.at[1], rows1)
        start_gather(sxA.at[1], rows1, sg1)
        start_pair(jnp.minimum(q + 6, last_pair), sxB, dxB, siB)
        return carry

    lax.fori_loop(0, NCHUNK // 4, quad, 0)
    wait_gather(sxA.at[0], rows0, sg0)
    wait_gather(sxA.at[1], rows1, sg1)
    wait_pair(sxB, dxB, siB)
    plsc.subcore_barrier()

    pltpu.sync_copy(acc.at[pl.ds(s * RPT, RPT)], out_hbm.at[c, pl.ds(s * RPT, RPT)])


def _add_body(p_ref, o_ref):
    o_ref[...] = p_ref[0] + p_ref[1]


def _combine(partials):
    blk = 1000
    grid = (N_NODES // blk,)
    return pl.pallas_call(
        _add_body,
        grid=grid,
        in_specs=[pl.BlockSpec((NC, blk, EMB), lambda i: (0, i, 0))],
        out_specs=pl.BlockSpec((blk, EMB), lambda i: (i, 0)),
        out_shape=jax.ShapeDtypeStruct((N_NODES, EMB), jnp.float32),
    )(partials)


def kernel(X, edge_index, W1, b1, W2, b2):
    h = _mlp(X, W1, b1.reshape(1, EMB), W2, b2.reshape(1, EMB))
    idx = edge_index.astype(jnp.int32).reshape(2, NW, NCHUNK, K)
    partials = _scatter_kernel(h, idx)
    return _combine(partials)

# --- scband reference (transcript-rebuilt; emitter-appended) ---
"""Pipeline reference for scband-cross-subg-conv-3496103379079 (READ-ONLY COPY).

The authoritative reference and input builder live on the scoring server;
editing this copy changes nothing except your own understanding.
"""

import jax, jax.numpy as jnp
import numpy as np

N_NODES = 10000
N_EDGES = 320000
EMB_DIM = 128


def setup_inputs(seed: int = 0) -> dict:
    key = jax.random.key(seed)
    k1, k2, k3, k4 = jax.random.split(key, 4)
    X = jax.random.normal(k1, (N_NODES, EMB_DIM), dtype=jnp.float32)
    edge_index = jax.random.randint(k2, (2, N_EDGES), 0, N_NODES, dtype=jnp.int64)
    # 2-layer MLP params (emb_dim -> emb_dim, tail activation per tailact=True)
    W1 = jax.random.normal(k3, (EMB_DIM, EMB_DIM), dtype=jnp.float32) * (1.0 / np.sqrt(EMB_DIM))
    b1 = jnp.zeros((EMB_DIM,), dtype=jnp.float32)
    W2 = jax.random.normal(k4, (EMB_DIM, EMB_DIM), dtype=jnp.float32) * (1.0 / np.sqrt(EMB_DIM))
    b2 = jnp.zeros((EMB_DIM,), dtype=jnp.float32)
    return {"X": X, "edge_index": edge_index, "W1": W1, "b1": b1, "W2": W2, "b2": b2}


def reference(X, edge_index, W1, b1, W2, b2):
    # tuplewiseapply(self.lin): apply MLP pointwise over the tuple/feature representation
    h = jnp.maximum(X @ W1 + b1, 0.0)
    h = jnp.maximum(h @ W2 + b2, 0.0)  # tailact=True -> activation after last layer
    # messagepassing_tuple(A, tX, 'sum'): gather messages from src nodes, scatter-add to dst
    src = edge_index[0]
    dst = edge_index[1]
    msg = jnp.take(h, src, axis=0)
    out = jax.ops.segment_sum(msg, dst, num_segments=X.shape[0])
    return out

if __name__ == "__main__":
    import jax
    _d = setup_inputs()
    print(jax.jit(kernel)(*tuple(_d.values())))

</pallas_src>

<mosaic_0001>
#map = affine_map<(d0, d1) -> (0, 0)>
#map1 = affine_map<(d0, d1) -> (0, 0, 0, 0)>
#map2 = affine_map<(d0, d1) -> (0, 0, 0)>
module attributes {stable_mosaic.version = 14 : i64} {
  func.func @_scatter_kernel(%arg0: i32, %arg1: i32, %arg2: memref<10000x128xf32, #tpu.memory_space<hbm>>, %arg3: memref<2x32x100x100xi32, #tpu.memory_space<hbm>>, %arg4: memref<2x10240x128xf32, #tpu.memory_space<hbm>>, %arg5: memref<2x100xi32, #tpu.memory_space<vmem>>, %arg6: memref<2x100xi32, #tpu.memory_space<vmem>>, %arg7: memref<2x100xi32, #tpu.memory_space<vmem>>, %arg8: memref<2x100xi32, #tpu.memory_space<vmem>>, %arg9: memref<100x128xf32, #tpu.memory_space<vmem>>, %arg10: memref<100x128xf32, #tpu.memory_space<vmem>>, %arg11: memref<10240x128xf32, #tpu.memory_space<vmem_shared>>, %arg12: memref<!tpu.dma_semaphore, #tpu.memory_space<semaphore_mem>>, %arg13: memref<!tpu.dma_semaphore, #tpu.memory_space<semaphore_mem>>, %arg14: memref<!tpu.dma_semaphore, #tpu.memory_space<semaphore_mem>>, %arg15: memref<!tpu.dma_semaphore, #tpu.memory_space<semaphore_mem>>) attributes {dimension_semantics = [#tpu.dimension_semantics<core_parallel>, #tpu.dimension_semantics<subcore_parallel>], iteration_bounds = array<i64: 2, 16>, scalar_prefetch = 0 : i64, scratch_operands = 11 : i64, tpu.core_type = #tpu.core_type<sc_vector_subcore>, window_params = [{transform_indices = #map}, {transform_indices = #map1}, {transform_indices = #map2}]} {
    %mul3A = arith.constant 16 : i32
    %mul3A_0 = arith.muli %arg0, %mul3A : i32
    %add3A = arith.addi %mul3A_0, %arg1 : i32
    %broadcast_in_dim3A = arith.constant 0.000000e+00 : f32
    %broadcast_in_dim3A_1 = vector.broadcast %broadcast_in_dim3A : f32 to vector<16xf32>
    %scan3A = arith.constant 0 : i32
    %scan3A_2 = arith.constant 0 : i32
    %scan3A_3 = arith.constant 80 : i32
    %scan3A_4 = arith.addi %scan3A_2, %scan3A_3 : i32
    %scan3A_5 = arith.constant 1 : i32
    scf.for %scan3A_340 = %scan3A_2 to %scan3A_4 step %scan3A_5  : i32 {
      %swap3A = arith.index_cast %scan3A_340 : i32 to index
      %swap3A_341 = arith.constant 0 : index
      %swap3A_342 = tpu.vector_load %arg9[%swap3A, %swap3A_341] {strides = array<i32>} : memref<100x128xf32, #tpu.memory_space<vmem>>, vector<1x16xf32>,
      %swap3A_343 = vector.shape_cast %swap3A_342 : vector<1x16xf32> to vector<16xf32>
      %swap3A_344 = vector.shape_cast %broadcast_in_dim3A_1 : vector<16xf32> to vector<1x16xf32>
      tpu.vector_store %arg9[%swap3A, %swap3A_341], %swap3A_344 {strides = array<i32>} : memref<100x128xf32, #tpu.memory_space<vmem>>, vector<1x16xf32>,
      %swap3A_345 = arith.index_cast %scan3A_340 : i32 to index
      %swap3A_346 = arith.constant 16 : index
      %swap3A_347 = tpu.vector_load %arg9[%swap3A_345, %swap3A_346] {strides = array<i32>} : memref<100x128xf32, #tpu.memory_space<vmem>>, vector<1x16xf32>,
      %swap3A_348 = vector.shape_cast %swap3A_347 : vector<1x16xf32> to vector<16xf32>
      %swap3A_349 = vector.shape_cast %broadcast_in_dim3A_1 : vector<16xf32> to vector<1x16xf32>
      tpu.vector_store %arg9[%swap3A_345, %swap3A_346], %swap3A_349 {strides = array<i32>} : memref<100x128xf32, #tpu.memory_space<vmem>>, vector<1x16xf32>,
      %swap3A_350 = arith.index_cast %scan3A_340 : i32 to index
      %swap3A_351 = arith.constant 32 : index
      %swap3A_352 = tpu.vector_load %arg9[%swap3A_350, %swap3A_351] {strides = array<i32>} : memref<100x128xf32, #tpu.memory_space<vmem>>, vector<1x16xf32>,
      %swap3A_353 = vector.shape_cast %swap3A_352 : vector<1x16xf32> to vector<16xf32>
      %swap3A_354 = vector.shape_cast %broadcast_in_dim3A_1 : vector<16xf32> to vector<1x16xf32>
      tpu.vector_store %arg9[%swap3A_350, %swap3A_351], %swap3A_354 {strides = array<i32>} : memref<100x128xf32, #tpu.memory_space<vmem>>, vector<1x16xf32>,
      %swap3A_355 = arith.index_cast %scan3A_340 : i32 to index
      %swap3A_356 = arith.constant 48 : index
      %swap3A_357 = tpu.vector_load %arg9[%swap3A_355, %swap3A_356] {strides = array<i32>} : memref<100x128xf32, #tpu.memory_space<vmem>>, vector<1x16xf32>,
      %swap3A_358 = vector.shape_cast %swap3A_357 : vector<1x16xf32> to vector<16xf32>
      %swap3A_359 = vector.shape_cast %broadcast_in_dim3A_1 : vector<16xf32> to vector<1x16xf32>
      tpu.vector_store %arg9[%swap3A_355, %swap3A_356], %swap3A_359 {strides = array<i32>} : memref<100x128xf32, #tpu.memory_space<vmem>>, vector<1x16xf32>,
      %swap3A_360 = arith.index_cast %scan3A_340 : i32 to index
      %swap3A_361 = arith.constant 64 : index
      %swap3A_362 = tpu.vector_load %arg9[%swap3A_360, %swap3A_361] {strides = array<i32>} : memref<100x128xf32, #tpu.memory_space<vmem>>, vector<1x16xf32>,
      %swap3A_363 = vector.shape_cast %swap3A_362 : vector<1x16xf32> to vector<16xf32>
      %swap3A_364 = vector.shape_cast %broadcast_in_dim3A_1 : vector<16xf32> to vector<1x16xf32>
      tpu.vector_store %arg9[%swap3A_360, %swap3A_361], %swap3A_364 {strides = array<i32>} : memref<100x128xf32, #tpu.memory_space<vmem>>, vector<1x16xf32>,
      %swap3A_365 = arith.index_cast %scan3A_340 : i32 to index
      %swap3A_366 = arith.constant 80 : index
      %swap3A_367 = tpu.vector_load %arg9[%swap3A_365, %swap3A_366] {strides = array<i32>} : memref<100x128xf32, #tpu.memory_space<vmem>>, vector<1x16xf32>,
      %swap3A_368 = vector.shape_cast %swap3A_367 : vector<1x16xf32> to vector<16xf32>
      %swap3A_369 = vector.shape_cast %broadcast_in_dim3A_1 : vector<16xf32> to vector<1x16xf32>
      tpu.vector_store %arg9[%swap3A_365, %swap3A_366], %swap3A_369 {strides = array<i32>} : memref<100x128xf32, #tpu.memory_space<vmem>>, vector<1x16xf32>,
      %swap3A_370 = arith.index_cast %scan3A_340 : i32 to index
      %swap3A_371 = arith.constant 96 : index
      %swap3A_372 = tpu.vector_load %arg9[%swap3A_370, %swap3A_371] {strides = array<i32>} : memref<100x128xf32, #tpu.memory_space<vmem>>, vector<1x16xf32>,
      %swap3A_373 = vector.shape_cast %swap3A_372 : vector<1x16xf32> to vector<16xf32>
      %swap3A_374 = vector.shape_cast %broadcast_in_dim3A_1 : vector<16xf32> to vector<1x16xf32>
      tpu.vector_store %arg9[%swap3A_370, %swap3A_371], %swap3A_374 {strides = array<i32>} : memref<100x128xf32, #tpu.memory_space<vmem>>, vector<1x16xf32>,
      %swap3A_375 = arith.index_cast %scan3A_340 : i32 to index
      %swap3A_376 = arith.constant 112 : index
      %swap3A_377 = tpu.vector_load %arg9[%swap3A_375, %swap3A_376] {strides = array<i32>} : memref<100x128xf32, #tpu.memory_space<vmem>>, vector<1x16xf32>,
      %swap3A_378 = vector.shape_cast %swap3A_377 : vector<1x16xf32> to vector<16xf32>
      %swap3A_379 = vector.shape_cast %broadcast_in_dim3A_1 : vector<16xf32> to vector<1x16xf32>
      tpu.vector_store %arg9[%swap3A_375, %swap3A_376], %swap3A_379 {strides = array<i32>} : memref<100x128xf32, #tpu.memory_space<vmem>>, vector<1x16xf32>,
    }
    %scan3A_6 = arith.constant 80 : i32
    %mul3A_7 = arith.constant 640 : i32
    %mul3A_8 = arith.muli %arg1, %mul3A_7 : i32
    %add3A_9 = arith.constant 0 : i32
    %add3A_10 = arith.addi %mul3A_8, %add3A_9 : i32
    %dma_start3A = arith.constant 0 : i32
    %dma_start3A_11 = arith.constant 0 : i32
    %dma_start3A_12 = tpu.memref_slice %arg9[%dma_start3A, %dma_start3A_11] : memref<100x128xf32, #tpu.memory_space<vmem>> -> memref<80x128xf32, #tpu.memory_space<vmem>>
    %dma_start3A_13 = arith.constant 0 : i32
    %dma_start3A_14 = tpu.memref_slice %arg11[%add3A_10, %dma_start3A_13] : memref<10240x128xf32, #tpu.memory_space<vmem_shared>> -> memref<80x128xf32, #tpu.memory_space<vmem_shared>>
    %dma_start3A_15 = arith.constant 0 : i32
    %dma_start3A_16 = tpu.memref_slice %arg11[%add3A_10, %dma_start3A_15] : memref<10240x128xf32, #tpu.memory_space<vmem_shared>> -> memref<80x128xf32, #tpu.memory_space<vmem_shared>>
    %dma_start3A_17 = arith.constant 0 : i32
    %dma_start3A_18 = arith.constant 0 : i32
    %dma_start3A_19 = tpu.memref_slice %arg9[%dma_start3A_17, %dma_start3A_18] : memref<100x128xf32, #tpu.memory_space<vmem>> -> memref<80x128xf32, #tpu.memory_space<vmem>>
    tpu.enqueue_dma source(%dma_start3A_19 : memref<80x128xf32, #tpu.memory_space<vmem>>) target(%dma_start3A_16 : memref<80x128xf32, #tpu.memory_space<vmem_shared>>) target_semaphore(%arg14 : memref<!tpu.dma_semaphore, #tpu.memory_space<semaphore_mem>>)
    %mul3A_20 = arith.constant 640 : i32
    %mul3A_21 = arith.muli %arg1, %mul3A_20 : i32
    %add3A_22 = arith.constant 80 : i32
    %add3A_23 = arith.addi %mul3A_21, %add3A_22 : i32
    %dma_start3A_24 = arith.constant 0 : i32
    %dma_start3A_25 = arith.constant 0 : i32
    %dma_start3A_26 = tpu.memref_slice %arg9[%dma_start3A_24, %dma_start3A_25] : memref<100x128xf32, #tpu.memory_space<vmem>> -> memref<80x128xf32, #tpu.memory_space<vmem>>
    %dma_start3A_27 = arith.constant 0 : i32
    %dma_start3A_28 = tpu.memref_slice %arg11[%add3A_23, %dma_start3A_27] : memref<10240x128xf32, #tpu.memory_space<vmem_shared>> -> memref<80x128xf32, #tpu.memory_space<vmem_shared>>
    %dma_start3A_29 = arith.constant 0 : i32
    %dma_start3A_30 = tpu.memref_slice %arg11[%add3A_23, %dma_start3A_29] : memref<10240x128xf32, #tpu.memory_space<vmem_shared>> -> memref<80x128xf32, #tpu.memory_space<vmem_shared>>
    %dma_start3A_31 = arith.constant 0 : i32
    %dma_start3A_32 = arith.constant 0 : i32
    %dma_start3A_33 = tpu.memref_slice %arg9[%dma_start3A_31, %dma_start3A_32] : memref<100x128xf32, #tpu.memory_space<vmem>> -> memref<80x128xf32, #tpu.memory_space<vmem>>
    tpu.enqueue_dma source(%dma_start3A_33 : memref<80x128xf32, #tpu.memory_space<vmem>>) target(%dma_start3A_30 : memref<80x128xf32, #tpu.memory_space<vmem_shared>>) target_semaphore(%arg14 : memref<!tpu.dma_semaphore, #tpu.memory_space<semaphore_mem>>)
    %mul3A_34 = arith.constant 640 : i32
    %mul3A_35 = arith.muli %arg1, %mul3A_34 : i32
    %add3A_36 = arith.constant 160 : i32
    %add3A_37 = arith.addi %mul3A_35, %add3A_36 : i32
    %dma_start3A_38 = arith.constant 0 : i32
    %dma_start3A_39 = arith.constant 0 : i32
    %dma_start3A_40 = tpu.memref_slice %arg9[%dma_start3A_38, %dma_start3A_39] : memref<100x128xf32, #tpu.memory_space<vmem>> -> memref<80x128xf32, #tpu.memory_space<vmem>>
    %dma_start3A_41 = arith.constant 0 : i32
    %dma_start3A_42 = tpu.memref_slice %arg11[%add3A_37, %dma_start3A_41] : memref<10240x128xf32, #tpu.memory_space<vmem_shared>> -> memref<80x128xf32, #tpu.memory_space<vmem_shared>>
    %dma_start3A_43 = arith.constant 0 : i32
    %dma_start3A_44 = tpu.memref_slice %arg11[%add3A_37, %dma_start3A_43] : memref<10240x128xf32, #tpu.memory_space<vmem_shared>> -> memref<80x128xf32, #tpu.memory_space<vmem_shared>>
    %dma_start3A_45 = arith.constant 0 : i32
    %dma_start3A_46 = arith.constant 0 : i32
    %dma_start3A_47 = tpu.memref_slice %arg9[%dma_start3A_45, %dma_start3A_46] : memref<100x128xf32, #tpu.memory_space<vmem>> -> memref<80x128xf32, #tpu.memory_space<vmem>>
    tpu.enqueue_dma source(%dma_start3A_47 : memref<80x128xf32, #tpu.memory_space<vmem>>) target(%dma_start3A_44 : memref<80x128xf32, #tpu.memory_space<vmem_shared>>) target_semaphore(%arg14 : memref<!tpu.dma_semaphore, #tpu.memory_space<semaphore_mem>>)
    %mul3A_48 = arith.constant 640 : i32
    %mul3A_49 = arith.muli %arg1, %mul3A_48 : i32
    %add3A_50 = arith.constant 240 : i32
    %add3A_51 = arith.addi %mul3A_49, %add3A_50 : i32
    %dma_start3A_52 = arith.constant 0 : i32
    %dma_start3A_53 = arith.constant 0 : i32
    %dma_start3A_54 = tpu.memref_slice %arg9[%dma_start3A_52, %dma_start3A_53] : memref<100x128xf32, #tpu.memory_space<vmem>> -> memref<80x128xf32, #tpu.memory_space<vmem>>
    %dma_start3A_55 = arith.constant 0 : i32
    %dma_start3A_56 = tpu.memref_slice %arg11[%add3A_51, %dma_start3A_55] : memref<10240x128xf32, #tpu.memory_space<vmem_shared>> -> memref<80x128xf32, #tpu.memory_space<vmem_shared>>
    %dma_start3A_57 = arith.constant 0 : i32
    %dma_start3A_58 = tpu.memref_slice %arg11[%add3A_51, %dma_start3A_57] : memref<10240x128xf32, #tpu.memory_space<vmem_shared>> -> memref<80x128xf32, #tpu.memory_space<vmem_shared>>
    %dma_start3A_59 = arith.constant 0 : i32
    %dma_start3A_60 = arith.constant 0 : i32
    %dma_start3A_61 = tpu.memref_slice %arg9[%dma_start3A_59, %dma_start3A_60] : memref<100x128xf32, #tpu.memory_space<vmem>> -> memref<80x128xf32, #tpu.memory_space<vmem>>
    tpu.enqueue_dma source(%dma_start3A_61 : memref<80x128xf32, #tpu.memory_space<vmem>>) target(%dma_start3A_58 : memref<80x128xf32, #tpu.memory_space<vmem_shared>>) target_semaphore(%arg14 : memref<!tpu.dma_semaphore, #tpu.memory_space<semaphore_mem>>)
    %mul3A_62 = arith.constant 640 : i32
    %mul3A_63 = arith.muli %arg1, %mul3A_62 : i32
    %add3A_64 = arith.constant 320 : i32
    %add3A_65 = arith.addi %mul3A_63, %add3A_64 : i32
    %dma_start3A_66 = arith.constant 0 : i32
    %dma_start3A_67 = arith.constant 0 : i32
    %dma_start3A_68 = tpu.memref_slice %arg9[%dma_start3A_66, %dma_start3A_67] : memref<100x128xf32, #tpu.memory_space<vmem>> -> memref<80x128xf32, #tpu.memory_space<vmem>>
    %dma_start3A_69 = arith.constant 0 : i32
    %dma_start3A_70 = tpu.memref_slice %arg11[%add3A_65, %dma_start3A_69] : memref<10240x128xf32, #tpu.memory_space<vmem_shared>> -> memref<80x128xf32, #tpu.memory_space<vmem_shared>>
    %dma_start3A_71 = arith.constant 0 : i32
    %dma_start3A_72 = tpu.memref_slice %arg11[%add3A_65, %dma_start3A_71] : memref<10240x128xf32, #tpu.memory_space<vmem_shared>> -> memref<80x128xf32, #tpu.memory_space<vmem_shared>>
    %dma_start3A_73 = arith.constant 0 : i32
    %dma_start3A_74 = arith.constant 0 : i32
    %dma_start3A_75 = tpu.memref_slice %arg9[%dma_start3A_73, %dma_start3A_74] : memref<100x128xf32, #tpu.memory_space<vmem>> -> memref<80x128xf32, #tpu.memory_space<vmem>>
    tpu.enqueue_dma source(%dma_start3A_75 : memref<80x128xf32, #tpu.memory_space<vmem>>) target(%dma_start3A_72 : memref<80x128xf32, #tpu.memory_space<vmem_shared>>) target_semaphore(%arg14 : memref<!tpu.dma_semaphore, #tpu.memory_space<semaphore_mem>>)
    %mul3A_76 = arith.constant 640 : i32
    %mul3A_77 = arith.muli %arg1, %mul3A_76 : i32
    %add3A_78 = arith.constant 400 : i32
    %add3A_79 = arith.addi %mul3A_77, %add3A_78 : i32
    %dma_start3A_80 = arith.constant 0 : i32
    %dma_start3A_81 = arith.constant 0 : i32
    %dma_start3A_82 = tpu.memref_slice %arg9[%dma_start3A_80, %dma_start3A_81] : memref<100x128xf32, #tpu.memory_space<vmem>> -> memref<80x128xf32, #tpu.memory_space<vmem>>
    %dma_start3A_83 = arith.constant 0 : i32
    %dma_start3A_84 = tpu.memref_slice %arg11[%add3A_79, %dma_start3A_83] : memref<10240x128xf32, #tpu.memory_space<vmem_shared>> -> memref<80x128xf32, #tpu.memory_space<vmem_shared>>
    %dma_start3A_85 = arith.constant 0 : i32
    %dma_start3A_86 = tpu.memref_slice %arg11[%add3A_79, %dma_start3A_85] : memref<10240x128xf32, #tpu.memory_space<vmem_shared>> -> memref<80x128xf32, #tpu.memory_space<vmem_shared>>
    %dma_start3A_87 = arith.constant 0 : i32
    %dma_start3A_88 = arith.constant 0 : i32
    %dma_start3A_89 = tpu.memref_slice %arg9[%dma_start3A_87, %dma_start3A_88] : memref<100x128xf32, #tpu.memory_space<vmem>> -> memref<80x128xf32, #tpu.memory_space<vmem>>
    tpu.enqueue_dma source(%dma_start3A_89 : memref<80x128xf32, #tpu.memory_space<vmem>>) target(%dma_start3A_86 : memref<80x128xf32, #tpu.memory_space<vmem_shared>>) target_semaphore(%arg14 : memref<!tpu.dma_semaphore, #tpu.memory_space<semaphore_mem>>)
    %mul3A_90 = arith.constant 640 : i32
    %mul3A_91 = arith.muli %arg1, %mul3A_90 : i32
    %add3A_92 = arith.constant 480 : i32
    %add3A_93 = arith.addi %mul3A_91, %add3A_92 : i32
    %dma_start3A_94 = arith.constant 0 : i32
    %dma_start3A_95 = arith.constant 0 : i32
    %dma_start3A_96 = tpu.memref_slice %arg9[%dma_start3A_94, %dma_start3A_95] : memref<100x128xf32, #tpu.memory_space<vmem>> -> memref<80x128xf32, #tpu.memory_space<vmem>>
    %dma_start3A_97 = arith.constant 0 : i32
    %dma_start3A_98 = tpu.memref_slice %arg11[%add3A_93, %dma_start3A_97] : memref<10240x128xf32, #tpu.memory_space<vmem_shared>> -> memref<80x128xf32, #tpu.memory_space<vmem_shared>>
    %dma_start3A_99 = arith.constant 0 : i32
    %dma_start3A_100 = tpu.memref_slice %arg11[%add3A_93, %dma_start3A_99] : memref<10240x128xf32, #tpu.memory_space<vmem_shared>> -> memref<80x128xf32, #tpu.memory_space<vmem_shared>>
    %dma_start3A_101 = arith.constant 0 : i32
    %dma_start3A_102 = arith.constant 0 : i32
    %dma_start3A_103 = tpu.memref_slice %arg9[%dma_start3A_101, %dma_start3A_102] : memref<100x128xf32, #tpu.memory_space<vmem>> -> memref<80x128xf32, #tpu.memory_space<vmem>>
    tpu.enqueue_dma source(%dma_start3A_103 : memref<80x128xf32, #tpu.memory_space<vmem>>) target(%dma_start3A_100 : memref<80x128xf32, #tpu.memory_space<vmem_shared>>) target_semaphore(%arg14 : memref<!tpu.dma_semaphore, #tpu.memory_space<semaphore_mem>>)
    %mul3A_104 = arith.constant 640 : i32
    %mul3A_105 = arith.muli %arg1, %mul3A_104 : i32
    %add3A_106 = arith.constant 560 : i32
    %add3A_107 = arith.addi %mul3A_105, %add3A_106 : i32
    %dma_start3A_108 = arith.constant 0 : i32
    %dma_start3A_109 = arith.constant 0 : i32
    %dma_start3A_110 = tpu.memref_slice %arg9[%dma_start3A_108, %dma_start3A_109] : memref<100x128xf32, #tpu.memory_space<vmem>> -> memref<80x128xf32, #tpu.memory_space<vmem>>
    %dma_start3A_111 = arith.constant 0 : i32
    %dma_start3A_112 = tpu.memref_slice %arg11[%add3A_107, %dma_start3A_111] : memref<10240x128xf32, #tpu.memory_space<vmem_shared>> -> memref<80x128xf32, #tpu.memory_space<vmem_shared>>
    %dma_start3A_113 = arith.constant 0 : i32
    %dma_start3A_114 = tpu.memref_slice %arg11[%add3A_107, %dma_start3A_113] : memref<10240x128xf32, #tpu.memory_space<vmem_shared>> -> memref<80x128xf32, #tpu.memory_space<vmem_shared>>
    %dma_start3A_115 = arith.constant 0 : i32
    %dma_start3A_116 = arith.constant 0 : i32
    %dma_start3A_117 = tpu.memref_slice %arg9[%dma_start3A_115, %dma_start3A_116] : memref<100x128xf32, #tpu.memory_space<vmem>> -> memref<80x128xf32, #tpu.memory_space<vmem>>
    tpu.enqueue_dma source(%dma_start3A_117 : memref<80x128xf32, #tpu.memory_space<vmem>>) target(%dma_start3A_114 : memref<80x128xf32, #tpu.memory_space<vmem_shared>>) target_semaphore(%arg14 : memref<!tpu.dma_semaphore, #tpu.memory_space<semaphore_mem>>)
    %mul3A_118 = arith.constant 640 : i32
    %mul3A_119 = arith.muli %arg1, %mul3A_118 : i32
    %add3A_120 = arith.constant 0 : i32
    %add3A_121 = arith.addi %mul3A_119, %add3A_120 : i32
    %dma_wait3A = arith.constant 0 : i32
    %dma_wait3A_122 = arith.constant 0 : i32
    %dma_wait3A_123 = tpu.memref_slice %arg9[%dma_wait3A, %dma_wait3A_122] : memref<100x128xf32, #tpu.memory_space<vmem>> -> memref<80x128xf32, #tpu.memory_space<vmem>>
    %dma_wait3A_124 = arith.constant 0 : i32
    %dma_wait3A_125 = tpu.memref_slice %arg11[%add3A_121, %dma_wait3A_124] : memref<10240x128xf32, #tpu.memory_space<vmem_shared>> -> memref<80x128xf32, #tpu.memory_space<vmem_shared>>
    %dma_wait3A_126 = arith.constant 0 : i32
    %dma_wait3A_127 = tpu.memref_slice %arg11[%add3A_121, %dma_wait3A_126] : memref<10240x128xf32, #tpu.memory_space<vmem_shared>> -> memref<80x128xf32, #tpu.memory_space<vmem_shared>>
    %dma_wait3A_128 = arith.constant 0 : i32
    %dma_wait3A_129 = arith.constant 0 : i32
    %dma_wait3A_130 = tpu.memref_slice %arg9[%dma_wait3A_128, %dma_wait3A_129] : memref<100x128xf32, #tpu.memory_space<vmem>> -> memref<80x128xf32, #tpu.memory_space<vmem>>
    tpu.wait_dma2 semaphore(%arg14 : memref<!tpu.dma_semaphore, #tpu.memory_space<semaphore_mem>>) src(%dma_wait3A_130 : memref<80x128xf32, #tpu.memory_space<vmem>>) dst(%dma_wait3A_127 : memref<80x128xf32, #tpu.memory_space<vmem_shared>>)
    %mul3A_131 = arith.constant 640 : i32
    %mul3A_132 = arith.muli %arg1, %mul3A_131 : i32
    %add3A_133 = arith.constant 80 : i32
    %add3A_134 = arith.addi %mul3A_132, %add3A_133 : i32
    %dma_wait3A_135 = arith.constant 0 : i32
    %dma_wait3A_136 = arith.constant 0 : i32
    %dma_wait3A_137 = tpu.memref_slice %arg9[%dma_wait3A_135, %dma_wait3A_136] : memref<100x128xf32, #tpu.memory_space<vmem>> -> memref<80x128xf32, #tpu.memory_space<vmem>>
    %dma_wait3A_138 = arith.constant 0 : i32
    %dma_wait3A_139 = tpu.memref_slice %arg11[%add3A_134, %dma_wait3A_138] : memref<10240x128xf32, #tpu.memory_space<vmem_shared>> -> memref<80x128xf32, #tpu.memory_space<vmem_shared>>
    %dma_wait3A_140 = arith.constant 0 : i32
    %dma_wait3A_141 = tpu.memref_slice %arg11[%add3A_134, %dma_wait3A_140] : memref<10240x128xf32, #tpu.memory_space<vmem_shared>> -> memref<80x128xf32, #tpu.memory_space<vmem_shared>>
    %dma_wait3A_142 = arith.constant 0 : i32
    %dma_wait3A_143 = arith.constant 0 : i32
    %dma_wait3A_144 = tpu.memref_slice %arg9[%dma_wait3A_142, %dma_wait3A_143] : memref<100x128xf32, #tpu.memory_space<vmem>> -> memref<80x128xf32, #tpu.memory_space<vmem>>
    tpu.wait_dma2 semaphore(%arg14 : memref<!tpu.dma_semaphore, #tpu.memory_space<semaphore_mem>>) src(%dma_wait3A_144 : memref<80x128xf32, #tpu.memory_space<vmem>>) dst(%dma_wait3A_141 : memref<80x128xf32, #tpu.memory_space<vmem_shared>>)
    %mul3A_145 = arith.constant 640 : i32
    %mul3A_146 = arith.muli %arg1, %mul3A_145 : i32
    %add3A_147 = arith.constant 160 : i32
    %add3A_148 = arith.addi %mul3A_146, %add3A_147 : i32
    %dma_wait3A_149 = arith.constant 0 : i32
    %dma_wait3A_150 = arith.constant 0 : i32
    %dma_wait3A_151 = tpu.memref_slice %arg9[%dma_wait3A_149, %dma_wait3A_150] : memref<100x128xf32, #tpu.memory_space<vmem>> -> memref<80x128xf32, #tpu.memory_space<vmem>>
    %dma_wait3A_152 = arith.constant 0 : i32
    %dma_wait3A_153 = tpu.memref_slice %arg11[%add3A_148, %dma_wait3A_152] : memref<10240x128xf32, #tpu.memory_space<vmem_shared>> -> memref<80x128xf32, #tpu.memory_space<vmem_shared>>
    %dma_wait3A_154 = arith.constant 0 : i32
    %dma_wait3A_155 = tpu.memref_slice %arg11[%add3A_148, %dma_wait3A_154] : memref<10240x128xf32, #tpu.memory_space<vmem_shared>> -> memref<80x128xf32, #tpu.memory_space<vmem_shared>>
    %dma_wait3A_156 = arith.constant 0 : i32
    %dma_wait3A_157 = arith.constant 0 : i32
    %dma_wait3A_158 = tpu.memref_slice %arg9[%dma_wait3A_156, %dma_wait3A_157] : memref<100x128xf32, #tpu.memory_space<vmem>> -> memref<80x128xf32, #tpu.memory_space<vmem>>
    tpu.wait_dma2 semaphore(%arg14 : memref<!tpu.dma_semaphore, #tpu.memory_space<semaphore_mem>>) src(%dma_wait3A_158 : memref<80x128xf32, #tpu.memory_space<vmem>>) dst(%dma_wait3A_155 : memref<80x128xf32, #tpu.memory_space<vmem_shared>>)
    %mul3A_159 = arith.constant 640 : i32
    %mul3A_160 = arith.muli %arg1, %mul3A_159 : i32
    %add3A_161 = arith.constant 240 : i32
    %add3A_162 = arith.addi %mul3A_160, %add3A_161 : i32
    %dma_wait3A_163 = arith.constant 0 : i32
    %dma_wait3A_164 = arith.constant 0 : i32
    %dma_wait3A_165 = tpu.memref_slice %arg9[%dma_wait3A_163, %dma_wait3A_164] : memref<100x128xf32, #tpu.memory_space<vmem>> -> memref<80x128xf32, #tpu.memory_space<vmem>>
    %dma_wait3A_166 = arith.constant 0 : i32
    %dma_wait3A_167 = tpu.memref_slice %arg11[%add3A_162, %dma_wait3A_166] : memref<10240x128xf32, #tpu.memory_space<vmem_shared>> -> memref<80x128xf32, #tpu.memory_space<vmem_shared>>
    %dma_wait3A_168 = arith.constant 0 : i32
    %dma_wait3A_169 = tpu.memref_slice %arg11[%add3A_162, %dma_wait3A_168] : memref<10240x128xf32, #tpu.memory_space<vmem_shared>> -> memref<80x128xf32, #tpu.memory_space<vmem_shared>>
    %dma_wait3A_170 = arith.constant 0 : i32
    %dma_wait3A_171 = arith.constant 0 : i32
    %dma_wait3A_172 = tpu.memref_slice %arg9[%dma_wait3A_170, %dma_wait3A_171] : memref<100x128xf32, #tpu.memory_space<vmem>> -> memref<80x128xf32, #tpu.memory_space<vmem>>
    tpu.wait_dma2 semaphore(%arg14 : memref<!tpu.dma_semaphore, #tpu.memory_space<semaphore_mem>>) src(%dma_wait3A_172 : memref<80x128xf32, #tpu.memory_space<vmem>>) dst(%dma_wait3A_169 : memref<80x128xf32, #tpu.memory_space<vmem_shared>>)
    %mul3A_173 = arith.constant 640 : i32
    %mul3A_174 = arith.muli %arg1, %mul3A_173 : i32
    %add3A_175 = arith.constant 320 : i32
    %add3A_176 = arith.addi %mul3A_174, %add3A_175 : i32
    %dma_wait3A_177 = arith.constant 0 : i32
    %dma_wait3A_178 = arith.constant 0 : i32
    %dma_wait3A_179 = tpu.memref_slice %arg9[%dma_wait3A_177, %dma_wait3A_178] : memref<100x128xf32, #tpu.memory_space<vmem>> -> memref<80x128xf32, #tpu.memory_space<vmem>>
    %dma_wait3A_180 = arith.constant 0 : i32
    %dma_wait3A_181 = tpu.memref_slice %arg11[%add3A_176, %dma_wait3A_180] : memref<10240x128xf32, #tpu.memory_space<vmem_shared>> -> memref<80x128xf32, #tpu.memory_space<vmem_shared>>
    %dma_wait3A_182 = arith.constant 0 : i32
    %dma_wait3A_183 = tpu.memref_slice %arg11[%add3A_176, %dma_wait3A_182] : memref<10240x128xf32, #tpu.memory_space<vmem_shared>> -> memref<80x128xf32, #tpu.memory_space<vmem_shared>>
    %dma_wait3A_184 = arith.constant 0 : i32
    %dma_wait3A_185 = arith.constant 0 : i32
    %dma_wait3A_186 = tpu.memref_slice %arg9[%dma_wait3A_184, %dma_wait3A_185] : memref<100x128xf32, #tpu.memory_space<vmem>> -> memref<80x128xf32, #tpu.memory_space<vmem>>
    tpu.wait_dma2 semaphore(%arg14 : memref<!tpu.dma_semaphore, #tpu.memory_space<semaphore_mem>>) src(%dma_wait3A_186 : memref<80x128xf32, #tpu.memory_space<vmem>>) dst(%dma_wait3A_183 : memref<80x128xf32, #tpu.memory_space<vmem_shared>>)
    %mul3A_187 = arith.constant 640 : i32
    %mul3A_188 = arith.muli %arg1, %mul3A_187 : i32
    %add3A_189 = arith.constant 400 : i32
    %add3A_190 = arith.addi %mul3A_188, %add3A_189 : i32
    %dma_wait3A_191 = arith.constant 0 : i32
    %dma_wait3A_192 = arith.constant 0 : i32
    %dma_wait3A_193 = tpu.memref_slice %arg9[%dma_wait3A_191, %dma_wait3A_192] : memref<100x128xf32, #tpu.memory_space<vmem>> -> memref<80x128xf32, #tpu.memory_space<vmem>>
    %dma_wait3A_194 = arith.constant 0 : i32
    %dma_wait3A_195 = tpu.memref_slice %arg11[%add3A_190, %dma_wait3A_194] : memref<10240x128xf32, #tpu.memory_space<vmem_shared>> -> memref<80x128xf32, #tpu.memory_space<vmem_shared>>
    %dma_wait3A_196 = arith.constant 0 : i32
    %dma_wait3A_197 = tpu.memref_slice %arg11[%add3A_190, %dma_wait3A_196] : memref<10240x128xf32, #tpu.memory_space<vmem_shared>> -> memref<80x128xf32, #tpu.memory_space<vmem_shared>>
    %dma_wait3A_198 = arith.constant 0 : i32
    %dma_wait3A_199 = arith.constant 0 : i32
    %dma_wait3A_200 = tpu.memref_slice %arg9[%dma_wait3A_198, %dma_wait3A_199] : memref<100x128xf32, #tpu.memory_space<vmem>> -> memref<80x128xf32, #tpu.memory_space<vmem>>
    tpu.wait_dma2 semaphore(%arg14 : memref<!tpu.dma_semaphore, #tpu.memory_space<semaphore_mem>>) src(%dma_wait3A_200 : memref<80x128xf32, #tpu.memory_space<vmem>>) dst(%dma_wait3A_197 : memref<80x128xf32, #tpu.memory_space<vmem_shared>>)
    %mul3A_201 = arith.constant 640 : i32
    %mul3A_202 = arith.muli %arg1, %mul3A_201 : i32
    %add3A_203 = arith.constant 480 : i32
    %add3A_204 = arith.addi %mul3A_202, %add3A_203 : i32
    %dma_wait3A_205 = arith.constant 0 : i32
    %dma_wait3A_206 = arith.constant 0 : i32
    %dma_wait3A_207 = tpu.memref_slice %arg9[%dma_wait3A_205, %dma_wait3A_206] : memref<100x128xf32, #tpu.memory_space<vmem>> -> memref<80x128xf32, #tpu.memory_space<vmem>>
    %dma_wait3A_208 = arith.constant 0 : i32
    %dma_wait3A_209 = tpu.memref_slice %arg11[%add3A_204, %dma_wait3A_208] : memref<10240x128xf32, #tpu.memory_space<vmem_shared>> -> memref<80x128xf32, #tpu.memory_space<vmem_shared>>
    %dma_wait3A_210 = arith.constant 0 : i32
    %dma_wait3A_211 = tpu.memref_slice %arg11[%add3A_204, %dma_wait3A_210] : memref<10240x128xf32, #tpu.memory_space<vmem_shared>> -> memref<80x128xf32, #tpu.memory_space<vmem_shared>>
    %dma_wait3A_212 = arith.constant 0 : i32
    %dma_wait3A_213 = arith.constant 0 : i32
    %dma_wait3A_214 = tpu.memref_slice %arg9[%dma_wait3A_212, %dma_wait3A_213] : memref<100x128xf32, #tpu.memory_space<vmem>> -> memref<80x128xf32, #tpu.memory_space<vmem>>
    tpu.wait_dma2 semaphore(%arg14 : memref<!tpu.dma_semaphore, #tpu.memory_space<semaphore_mem>>) src(%dma_wait3A_214 : memref<80x128xf32, #tpu.memory_space<vmem>>) dst(%dma_wait3A_211 : memref<80x128xf32, #tpu.memory_space<vmem_shared>>)
    %mul3A_215 = arith.constant 640 : i32
    %mul3A_216 = arith.muli %arg1, %mul3A_215 : i32
    %add3A_217 = arith.constant 560 : i32
    %add3A_218 = arith.addi %mul3A_216, %add3A_217 : i32
    %dma_wait3A_219 = arith.constant 0 : i32
    %dma_wait3A_220 = arith.constant 0 : i32
    %dma_wait3A_221 = tpu.memref_slice %arg9[%dma_wait3A_219, %dma_wait3A_220] : memref<100x128xf32, #tpu.memory_space<vmem>> -> memref<80x128xf32, #tpu.memory_space<vmem>>
    %dma_wait3A_222 = arith.constant 0 : i32
    %dma_wait3A_223 = tpu.memref_slice %arg11[%add3A_218, %dma_wait3A_222] : memref<10240x128xf32, #tpu.memory_space<vmem_shared>> -> memref<80x128xf32, #tpu.memory_space<vmem_shared>>
    %dma_wait3A_224 = arith.constant 0 : i32
    %dma_wait3A_225 = tpu.memref_slice %arg11[%add3A_218, %dma_wait3A_224] : memref<10240x128xf32, #tpu.memory_space<vmem_shared>> -> memref<80x128xf32, #tpu.memory_space<vmem_shared>>
    %dma_wait3A_226 = arith.constant 0 : i32
    %dma_wait3A_227 = arith.constant 0 : i32
    %dma_wait3A_228 = tpu.memref_slice %arg9[%dma_wait3A_226, %dma_wait3A_227] : memref<100x128xf32, #tpu.memory_space<vmem>> -> memref<80x128xf32, #tpu.memory_space<vmem>>
    tpu.wait_dma2 semaphore(%arg14 : memref<!tpu.dma_semaphore, #tpu.memory_space<semaphore_mem>>) src(%dma_wait3A_228 : memref<80x128xf32, #tpu.memory_space<vmem>>) dst(%dma_wait3A_225 : memref<80x128xf32, #tpu.memory_space<vmem_shared>>)
    %barrier3A = arith.constant 0 : index
    tpu.barrier barrier_id(%barrier3A)
    %dma_start3A_229 = arith.constant 0 : i32
    %dma_start3A_230 = arith.constant 0 : i32
    %dma_start3A_231 = arith.constant 0 : i32
    %dma_start3A_232 = tpu.memref_slice %arg3[%dma_start3A_229, %add3A, %dma_start3A_230, %dma_start3A_231] : memref<2x32x100x100xi32, #tpu.memory_space<hbm>> -> memref<1x1x2x100xi32, #tpu.memory_space<hbm>>
    %dma_start3A_233 = tpu.memref_squeeze %dma_start3A_232 : memref<1x1x2x100xi32, #tpu.memory_space<hbm>> -> memref<2x100xi32, #tpu.memory_space<hbm>>
    %dma_start3A_234 = arith.constant 0 : i32
    %dma_start3A_235 = arith.constant 0 : i32
    %dma_start3A_236 = tpu.memref_slice %arg3[%dma_start3A_229, %add3A, %dma_start3A_234, %dma_start3A_235] : memref<2x32x100x100xi32, #tpu.memory_space<hbm>> -> memref<1x1x2x100xi32, #tpu.memory_space<hbm>>
    %dma_start3A_237 = tpu.memref_squeeze %dma_start3A_236 : memref<1x1x2x100xi32, #tpu.memory_space<hbm>> -> memref<2x100xi32, #tpu.memory_space<hbm>>
    tpu.enqueue_dma source(%dma_start3A_237 : memref<2x100xi32, #tpu.memory_space<hbm>>) target(%arg5 : memref<2x100xi32, #tpu.memory_space<vmem>>) target_semaphore(%arg12 : memref<!tpu.dma_semaphore, #tpu.memory_space<semaphore_mem>>)
    %dma_start3A_238 = arith.constant 1 : i32
    %dma_start3A_239 = arith.constant 0 : i32
    %dma_start3A_240 = arith.constant 0 : i32
    %dma_start3A_241 = tpu.memref_slice %arg3[%dma_start3A_238, %add3A, %dma_start3A_239, %dma_start3A_240] : memref<2x32x100x100xi32, #tpu.memory_space<hbm>> -> memref<1x1x2x100xi32, #tpu.memory_space<hbm>>
    %dma_start3A_242 = tpu.memref_squeeze %dma_start3A_241 : memref<1x1x2x100xi32, #tpu.memory_space<hbm>> -> memref<2x100xi32, #tpu.memory_space<hbm>>
    %dma_start3A_243 = arith.constant 0 : i32
    %dma_start3A_244 = arith.constant 0 : i32
    %dma_start3A_245 = tpu.memref_slice %arg3[%dma_start3A_238, %add3A, %dma_start3A_243, %dma_start3A_244] : memref<2x32x100x100xi32, #tpu.memory_space<hbm>> -> memref<1x1x2x100xi32, #tpu.memory_space<hbm>>
    %dma_start3A_246 = tpu.memref_squeeze %dma_start3A_245 : memref<1x1x2x100xi32, #tpu.memory_space<hbm>> -> memref<2x100xi32, #tpu.memory_space<hbm>>
    tpu.enqueue_dma source(%dma_start3A_246 : memref<2x100xi32, #tpu.memory_space<hbm>>) target(%arg6 : memref<2x100xi32, #tpu.memory_space<vmem>>) target_semaphore(%arg12 : memref<!tpu.dma_semaphore, #tpu.memory_space<semaphore_mem>>)
    %dma_start3A_247 = arith.constant 0 : i32
    %dma_start3A_248 = arith.constant 2 : i32
    %dma_start3A_249 = arith.constant 0 : i32
    %dma_start3A_250 = tpu.memref_slice %arg3[%dma_start3A_247, %add3A, %dma_start3A_248, %dma_start3A_249] : memref<2x32x100x100xi32, #tpu.memory_space<hbm>> -> memref<1x1x2x100xi32, #tpu.memory_space<hbm>>
    %dma_start3A_251 = tpu.memref_squeeze %dma_start3A_250 : memref<1x1x2x100xi32, #tpu.memory_space<hbm>> -> memref<2x100xi32, #tpu.memory_space<hbm>>
    %dma_start3A_252 = arith.constant 2 : i32
    %dma_start3A_253 = arith.constant 0 : i32
    %dma_start3A_254 = tpu.memref_slice %arg3[%dma_start3A_247, %add3A, %dma_start3A_252, %dma_start3A_253] : memref<2x32x100x100xi32, #tpu.memory_space<hbm>> -> memref<1x1x2x100xi32, #tpu.memory_space<hbm>>
    %dma_start3A_255 = tpu.memref_squeeze %dma_start3A_254 : memref<1x1x2x100xi32, #tpu.memory_space<hbm>> -> memref<2x100xi32, #tpu.memory_space<hbm>>
    tpu.enqueue_dma source(%dma_start3A_255 : memref<2x100xi32, #tpu.memory_space<hbm>>) target(%arg7 : memref<2x100xi32, #tpu.memory_space<vmem>>) target_semaphore(%arg13 : memref<!tpu.dma_semaphore, #tpu.memory_space<semaphore_mem>>)
    %dma_start3A_256 = arith.constant 1 : i32
    %dma_start3A_257 = arith.constant 2 : i32
    %dma_start3A_258 = arith.constant 0 : i32
    %dma_start3A_259 = tpu.memref_slice %arg3[%dma_start3A_256, %add3A, %dma_start3A_257, %dma_start3A_258] : memref<2x32x100x100xi32, #tpu.memory_space<hbm>> -> memref<1x1x2x100xi32, #tpu.memory_space<hbm>>
    %dma_start3A_260 = tpu.memref_squeeze %dma_start3A_259 : memref<1x1x2x100xi32, #tpu.memory_space<hbm>> -> memref<2x100xi32, #tpu.memory_space<hbm>>
    %dma_start3A_261 = arith.constant 2 : i32
    %dma_start3A_262 = arith.constant 0 : i32
    %dma_start3A_263 = tpu.memref_slice %arg3[%dma_start3A_256, %add3A, %dma_start3A_261, %dma_start3A_262] : memref<2x32x100x100xi32, #tpu.memory_space<hbm>> -> memref<1x1x2x100xi32, #tpu.memory_space<hbm>>
    %dma_start3A_264 = tpu.memref_squeeze %dma_start3A_263 : memref<1x1x2x100xi32, #tpu.memory_space<hbm>> -> memref<2x100xi32, #tpu.memory_space<hbm>>
    tpu.enqueue_dma source(%dma_start3A_264 : memref<2x100xi32, #tpu.memory_space<hbm>>) target(%arg8 : memref<2x100xi32, #tpu.memory_space<vmem>>) target_semaphore(%arg13 : memref<!tpu.dma_semaphore, #tpu.memory_space<semaphore_mem>>)
    %dma_wait3A_265 = arith.constant 0 : i32
    %dma_wait3A_266 = arith.constant 0 : i32
    %dma_wait3A_267 = arith.constant 0 : i32
    %dma_wait3A_268 = tpu.memref_slice %arg3[%dma_wait3A_265, %add3A, %dma_wait3A_266, %dma_wait3A_267] : memref<2x32x100x100xi32, #tpu.memory_space<hbm>> -> memref<1x1x2x100xi32, #tpu.memory_space<hbm>>
    %dma_wait3A_269 = tpu.memref_squeeze %dma_wait3A_268 : memref<1x1x2x100xi32, #tpu.memory_space<hbm>> -> memref<2x100xi32, #tpu.memory_space<hbm>>
    %dma_wait3A_270 = arith.constant 0 : i32
    %dma_wait3A_271 = arith.constant 0 : i32
    %dma_wait3A_272 = tpu.memref_slice %arg3[%dma_wait3A_265, %add3A, %dma_wait3A_270, %dma_wait3A_271] : memref<2x32x100x100xi32, #tpu.memory_space<hbm>> -> memref<1x1x2x100xi32, #tpu.memory_space<hbm>>
    %dma_wait3A_273 = tpu.memref_squeeze %dma_wait3A_272 : memref<1x1x2x100xi32, #tpu.memory_space<hbm>> -> memref<2x100xi32, #tpu.memory_space<hbm>>
    tpu.wait_dma2 semaphore(%arg12 : memref<!tpu.dma_semaphore, #tpu.memory_space<semaphore_mem>>) src(%dma_wait3A_273 : memref<2x100xi32, #tpu.memory_space<hbm>>) dst(%arg5 : memref<2x100xi32, #tpu.memory_space<vmem>>)
    %dma_wait3A_274 = arith.constant 1 : i32
    %dma_wait3A_275 = arith.constant 0 : i32
    %dma_wait3A_276 = arith.constant 0 : i32
    %dma_wait3A_277 = tpu.memref_slice %arg3[%dma_wait3A_274, %add3A, %dma_wait3A_275, %dma_wait3A_276] : memref<2x32x100x100xi32, #tpu.memory_space<hbm>> -> memref<1x1x2x100xi32, #tpu.memory_space<hbm>>
    %dma_wait3A_278 = tpu.memref_squeeze %dma_wait3A_277 : memref<1x1x2x100xi32, #tpu.memory_space<hbm>> -> memref<2x100xi32, #tpu.memory_space<hbm>>
    %dma_wait3A_279 = arith.constant 0 : i32
    %dma_wait3A_280 = arith.constant 0 : i32
    %dma_wait3A_281 = tpu.memref_slice %arg3[%dma_wait3A_274, %add3A, %dma_wait3A_279, %dma_wait3A_280] : memref<2x32x100x100xi32, #tpu.memory_space<hbm>> -> memref<1x1x2x100xi32, #tpu.memory_space<hbm>>
    %dma_wait3A_282 = tpu.memref_squeeze %dma_wait3A_281 : memref<1x1x2x100xi32, #tpu.memory_space<hbm>> -> memref<2x100xi32, #tpu.memory_space<hbm>>
    tpu.wait_dma2 semaphore(%arg12 : memref<!tpu.dma_semaphore, #tpu.memory_space<semaphore_mem>>) src(%dma_wait3A_282 : memref<2x100xi32, #tpu.memory_space<hbm>>) dst(%arg6 : memref<2x100xi32, #tpu.memory_space<vmem>>)
    %dma_start3A_283 = arith.constant 0 : i32
    %dma_start3A_284 = arith.constant 0 : i32
    %dma_start3A_285 = tpu.memref_slice %arg5[%dma_start3A_283, %dma_start3A_284] : memref<2x100xi32, #tpu.memory_space<vmem>> -> memref<1x100xi32, #tpu.memory_space<vmem>>
    %dma_start3A_286 = tpu.memref_squeeze %dma_start3A_285 : memref<1x100xi32, #tpu.memory_space<vmem>> -> memref<100xi32, #tpu.memory_space<vmem>>
    %dma_start3A_287 = arith.constant 0 : i32
    %dma_start3A_288 = arith.constant 0 : i32
    %dma_start3A_289 = tpu.memref_slice %arg2[%dma_start3A_287, %dma_start3A_288] : memref<10000x128xf32, #tpu.memory_space<hbm>> -> memref<10000x128xf32, #tpu.memory_space<hbm>>
    tpu.enqueue_indirect_dma source(%dma_start3A_289 : memref<10000x128xf32, #tpu.memory_space<hbm>>) target(%arg9 : memref<100x128xf32, #tpu.memory_space<vmem>>) offsets(%dma_start3A_286 : memref<100xi32, #tpu.memory_space<vmem>>) semaphore(%arg14 : memref<!tpu.dma_semaphore, #tpu.memory_space<semaphore_mem>>)
    %dma_start3A_290 = arith.constant 1 : i32
    %dma_start3A_291 = arith.constant 0 : i32
    %dma_start3A_292 = tpu.memref_slice %arg5[%dma_start3A_290, %dma_start3A_291] : memref<2x100xi32, #tpu.memory_space<vmem>> -> memref<1x100xi32, #tpu.memory_space<vmem>>
    %dma_start3A_293 = tpu.memref_squeeze %dma_start3A_292 : memref<1x100xi32, #tpu.memory_space<vmem>> -> memref<100xi32, #tpu.memory_space<vmem>>
    %dma_start3A_294 = arith.constant 0 : i32
    %dma_start3A_295 = arith.constant 0 : i32
    %dma_start3A_296 = tpu.memref_slice %arg2[%dma_start3A_294, %dma_start3A_295] : memref<10000x128xf32, #tpu.memory_space<hbm>> -> memref<10000x128xf32, #tpu.memory_space<hbm>>
    tpu.enqueue_indirect_dma source(%dma_start3A_296 : memref<10000x128xf32, #tpu.memory_space<hbm>>) target(%arg10 : memref<100x128xf32, #tpu.memory_space<vmem>>) offsets(%dma_start3A_293 : memref<100xi32, #tpu.memory_space<vmem>>) semaphore(%arg15 : memref<!tpu.dma_semaphore, #tpu.memory_space<semaphore_mem>>)
    %scan3A_297 = arith.constant 0 : i32
    %scan3A_298 = arith.constant 0 : i32
    %scan3A_299 = arith.constant 25 : i32
    %scan3A_300 = arith.addi %scan3A_298, %scan3A_299 : i32
    %scan3A_301 = arith.constant 1 : i32
    scf.for %scan3A_340 = %scan3A_298 to %scan3A_300 step %scan3A_301  : i32 {
      %mul3A_341 = arith.constant 4 : i32
      %mul3A_342 = arith.muli %mul3A_341, %scan3A_340 : i32
      %dma_wait3A_343 = arith.constant 0 : i32
      %dma_wait3A_344 = arith.constant 0 : i32
      %dma_wait3A_345 = arith.constant 0 : i32
      %dma_wait3A_346 = tpu.memref_slice %arg3[%dma_wait3A_343, %add3A, %dma_wait3A_344, %dma_wait3A_345] : memref<2x32x100x100xi32, #tpu.memory_space<hbm>> -> memref<1x1x2x100xi32, #tpu.memory_space<hbm>>
      %dma_wait3A_347 = tpu.memref_squeeze %dma_wait3A_346 : memref<1x1x2x100xi32, #tpu.memory_space<hbm>> -> memref<2x100xi32, #tpu.memory_space<hbm>>
      %dma_wait3A_348 = arith.constant 0 : i32
      %dma_wait3A_349 = arith.constant 0 : i32
      %dma_wait3A_350 = tpu.memref_slice %arg3[%dma_wait3A_343, %add3A, %dma_wait3A_348, %dma_wait3A_349] : memref<2x32x100x100xi32, #tpu.memory_space<hbm>> -> memref<1x1x2x100xi32, #tpu.memory_space<hbm>>
      %dma_wait3A_351 = tpu.memref_squeeze %dma_wait3A_350 : memref<1x1x2x100xi32, #tpu.memory_space<hbm>> -> memref<2x100xi32, #tpu.memory_space<hbm>>
      tpu.wait_dma2 semaphore(%arg13 : memref<!tpu.dma_semaphore, #tpu.memory_space<semaphore_mem>>) src(%dma_wait3A_351 : memref<2x100xi32, #tpu.memory_space<hbm>>) dst(%arg7 : memref<2x100xi32, #tpu.memory_space<vmem>>)
      %dma_wait3A_352 = arith.constant 1 : i32
      %dma_wait3A_353 = arith.constant 0 : i32
      %dma_wait3A_354 = arith.constant 0 : i32
      %dma_wait3A_355 = tpu.memref_slice %arg3[%dma_wait3A_352, %add3A, %dma_wait3A_353, %dma_wait3A_354] : memref<2x32x100x100xi32, #tpu.memory_space<hbm>> -> memref<1x1x2x100xi32, #tpu.memory_space<hbm>>
      %dma_wait3A_356 = tpu.memref_squeeze %dma_wait3A_355 : memref<1x1x2x100xi32, #tpu.memory_space<hbm>> -> memref<2x100xi32, #tpu.memory_space<hbm>>
      %dma_wait3A_357 = arith.constant 0 : i32
      %dma_wait3A_358 = arith.constant 0 : i32
      %dma_wait3A_359 = tpu.memref_slice %arg3[%dma_wait3A_352, %add3A, %dma_wait3A_357, %dma_wait3A_358] : memref<2x32x100x100xi32, #tpu.memory_space<hbm>> -> memref<1x1x2x100xi32, #tpu.memory_space<hbm>>
      %dma_wait3A_360 = tpu.memref_squeeze %dma_wait3A_359 : memref<1x1x2x100xi32, #tpu.memory_space<hbm>> -> memref<2x100xi32, #tpu.memory_space<hbm>>
      tpu.wait_dma2 semaphore(%arg13 : memref<!tpu.dma_semaphore, #tpu.memory_space<semaphore_mem>>) src(%dma_wait3A_360 : memref<2x100xi32, #tpu.memory_space<hbm>>) dst(%arg8 : memref<2x100xi32, #tpu.memory_space<vmem>>)
      %dma_wait3A_361 = arith.constant 0 : i32
      %dma_wait3A_362 = arith.constant 0 : i32
      %dma_wait3A_363 = tpu.memref_slice %arg5[%dma_wait3A_361, %dma_wait3A_362] : memref<2x100xi32, #tpu.memory_space<vmem>> -> memref<1x100xi32, #tpu.memory_space<vmem>>
      %dma_wait3A_364 = tpu.memref_squeeze %dma_wait3A_363 : memref<1x100xi32, #tpu.memory_space<vmem>> -> memref<100xi32, #tpu.memory_space<vmem>>
      %dma_wait3A_365 = arith.constant 0 : i32
      %dma_wait3A_366 = arith.constant 0 : i32
      %dma_wait3A_367 = tpu.memref_slice %arg2[%dma_wait3A_365, %dma_wait3A_366] : memref<10000x128xf32, #tpu.memory_space<hbm>> -> memref<10000x128xf32, #tpu.memory_space<hbm>>
      tpu.wait_indirect_dma semaphore(%arg14 : memref<!tpu.dma_semaphore, #tpu.memory_space<semaphore_mem>>) src(%dma_wait3A_367 : memref<10000x128xf32, #tpu.memory_space<hbm>>) dst(%arg9 : memref<100x128xf32, #tpu.memory_space<vmem>>)
      %run_scoped3A = arith.constant 0 : i32
      "tpu.region"() ({
        %run_scoped3A_473 = tpu.sem_alloc : memref<!tpu.dma_semaphore, #tpu.memory_space<semaphore_mem>>
        %dma_start3A_474 = arith.constant 0 : i32
        %dma_start3A_475 = tpu.memref_slice %arg6[%run_scoped3A, %dma_start3A_474] : memref<2x100xi32, #tpu.memory_space<vmem>> -> memref<1x100xi32, #tpu.memory_space<vmem>>
        %dma_start3A_476 = tpu.memref_squeeze %dma_start3A_475 : memref<1x100xi32, #tpu.memory_space<vmem>> -> memref<100xi32, #tpu.memory_space<vmem>>
        %dma_start3A_477 = arith.constant 0 : i32
        %dma_start3A_478 = arith.constant 0 : i32
        %dma_start3A_479 = tpu.memref_slice %arg11[%dma_start3A_477, %dma_start3A_478] : memref<10240x128xf32, #tpu.memory_space<vmem_shared>> -> memref<10240x128xf32, #tpu.memory_space<vmem_shared>>
        tpu.enqueue_indirect_dma source(%arg9 : memref<100x128xf32, #tpu.memory_space<vmem>>) target(%dma_start3A_479 : memref<10240x128xf32, #tpu.memory_space<vmem_shared>>) offsets(%dma_start3A_476 : memref<100xi32, #tpu.memory_space<vmem>>) semaphore(%run_scoped3A_473 : memref<!tpu.dma_semaphore, #tpu.memory_space<semaphore_mem>>) {add = true}
        %dma_wait3A_480 = arith.constant 0 : i32
        %dma_wait3A_481 = tpu.memref_slice %arg6[%run_scoped3A, %dma_wait3A_480] : memref<2x100xi32, #tpu.memory_space<vmem>> -> memref<1x100xi32, #tpu.memory_space<vmem>>
        %dma_wait3A_482 = tpu.memref_squeeze %dma_wait3A_481 : memref<1x100xi32, #tpu.memory_space<vmem>> -> memref<100xi32, #tpu.memory_space<vmem>>
        %dma_wait3A_483 = arith.constant 0 : i32
        %dma_wait3A_484 = arith.constant 0 : i32
        %dma_wait3A_485 = tpu.memref_slice %arg11[%dma_wait3A_483, %dma_wait3A_484] : memref<10240x128xf32, #tpu.memory_space<vmem_shared>> -> memref<10240x128xf32, #tpu.memory_space<vmem_shared>>
        tpu.wait_indirect_dma semaphore(%run_scoped3A_473 : memref<!tpu.dma_semaphore, #tpu.memory_space<semaphore_mem>>) src(%arg9 : memref<100x128xf32, #tpu.memory_space<vmem>>) dst(%dma_wait3A_485 : memref<10240x128xf32, #tpu.memory_space<vmem_shared>>)
        tpu.yield
      }) : () -> ()
      %dma_start3A_368 = arith.constant 0 : i32
      %dma_start3A_369 = arith.constant 0 : i32
      %dma_start3A_370 = tpu.memref_slice %arg7[%dma_start3A_368, %dma_start3A_369] : memref<2x100xi32, #tpu.memory_space<vmem>> -> memref<1x100xi32, #tpu.memory_space<vmem>>
      %dma_start3A_371 = tpu.memref_squeeze %dma_start3A_370 : memref<1x100xi32, #tpu.memory_space<vmem>> -> memref<100xi32, #tpu.memory_space<vmem>>
      %dma_start3A_372 = arith.constant 0 : i32
      %dma_start3A_373 = arith.constant 0 : i32
      %dma_start3A_374 = tpu.memref_slice %arg2[%dma_start3A_372, %dma_start3A_373] : memref<10000x128xf32, #tpu.memory_space<hbm>> -> memref<10000x128xf32, #tpu.memory_space<hbm>>
      tpu.enqueue_indirect_dma source(%dma_start3A_374 : memref<10000x128xf32, #tpu.memory_space<hbm>>) target(%arg9 : memref<100x128xf32, #tpu.memory_space<vmem>>) offsets(%dma_start3A_371 : memref<100xi32, #tpu.memory_space<vmem>>) semaphore(%arg14 : memref<!tpu.dma_semaphore, #tpu.memory_space<semaphore_mem>>)
      %dma_wait3A_375 = arith.constant 1 : i32
      %dma_wait3A_376 = arith.constant 0 : i32
      %dma_wait3A_377 = tpu.memref_slice %arg5[%dma_wait3A_375, %dma_wait3A_376] : memref<2x100xi32, #tpu.memory_space<vmem>> -> memref<1x100xi32, #tpu.memory_space<vmem>>
      %dma_wait3A_378 = tpu.memref_squeeze %dma_wait3A_377 : memref<1x100xi32, #tpu.memory_space<vmem>> -> memref<100xi32, #tpu.memory_space<vmem>>
      %dma_wait3A_379 = arith.constant 0 : i32
      %dma_wait3A_380 = arith.constant 0 : i32
      %dma_wait3A_381 = tpu.memref_slice %arg2[%dma_wait3A_379, %dma_wait3A_380] : memref<10000x128xf32, #tpu.memory_space<hbm>> -> memref<10000x128xf32, #tpu.memory_space<hbm>>
      tpu.wait_indirect_dma semaphore(%arg15 : memref<!tpu.dma_semaphore, #tpu.memory_space<semaphore_mem>>) src(%dma_wait3A_381 : memref<10000x128xf32, #tpu.memory_space<hbm>>) dst(%arg10 : memref<100x128xf32, #tpu.memory_space<vmem>>)
      %run_scoped3A_382 = arith.constant 1 : i32
      "tpu.region"() ({
        %run_scoped3A_473 = tpu.sem_alloc : memref<!tpu.dma_semaphore, #tpu.memory_space<semaphore_mem>>
        %dma_start3A_474 = arith.constant 0 : i32
        %dma_start3A_475 = tpu.memref_slice %arg6[%run_scoped3A_382, %dma_start3A_474] : memref<2x100xi32, #tpu.memory_space<vmem>> -> memref<1x100xi32, #tpu.memory_space<vmem>>
        %dma_start3A_476 = tpu.memref_squeeze %dma_start3A_475 : memref<1x100xi32, #tpu.memory_space<vmem>> -> memref<100xi32, #tpu.memory_space<vmem>>
        %dma_start3A_477 = arith.constant 0 : i32
        %dma_start3A_478 = arith.constant 0 : i32
        %dma_start3A_479 = tpu.memref_slice %arg11[%dma_start3A_477, %dma_start3A_478] : memref<10240x128xf32, #tpu.memory_space<vmem_shared>> -> memref<10240x128xf32, #tpu.memory_space<vmem_shared>>
        tpu.enqueue_indirect_dma source(%arg10 : memref<100x128xf32, #tpu.memory_space<vmem>>) target(%dma_start3A_479 : memref<10240x128xf32, #tpu.memory_space<vmem_shared>>) offsets(%dma_start3A_476 : memref<100xi32, #tpu.memory_space<vmem>>) semaphore(%run_scoped3A_473 : memref<!tpu.dma_semaphore, #tpu.memory_space<semaphore_mem>>) {add = true}
        %dma_wait3A_480 = arith.constant 0 : i32
        %dma_wait3A_481 = tpu.memref_slice %arg6[%run_scoped3A_382, %dma_wait3A_480] : memref<2x100xi32, #tpu.memory_space<vmem>> -> memref<1x100xi32, #tpu.memory_space<vmem>>
        %dma_wait3A_482 = tpu.memref_squeeze %dma_wait3A_481 : memref<1x100xi32, #tpu.memory_space<vmem>> -> memref<100xi32, #tpu.memory_space<vmem>>
        %dma_wait3A_483 = arith.constant 0 : i32
        %dma_wait3A_484 = arith.constant 0 : i32
        %dma_wait3A_485 = tpu.memref_slice %arg11[%dma_wait3A_483, %dma_wait3A_484] : memref<10240x128xf32, #tpu.memory_space<vmem_shared>> -> memref<10240x128xf32, #tpu.memory_space<vmem_shared>>
        tpu.wait_indirect_dma semaphore(%run_scoped3A_473 : memref<!tpu.dma_semaphore, #tpu.memory_space<semaphore_mem>>) src(%arg10 : memref<100x128xf32, #tpu.memory_space<vmem>>) dst(%dma_wait3A_485 : memref<10240x128xf32, #tpu.memory_space<vmem_shared>>)
        tpu.yield
      }) : () -> ()
      %dma_start3A_383 = arith.constant 1 : i32
      %dma_start3A_384 = arith.constant 0 : i32
      %dma_start3A_385 = tpu.memref_slice %arg7[%dma_start3A_383, %dma_start3A_384] : memref<2x100xi32, #tpu.memory_space<vmem>> -> memref<1x100xi32, #tpu.memory_space<vmem>>
      %dma_start3A_386 = tpu.memref_squeeze %dma_start3A_385 : memref<1x100xi32, #tpu.memory_space<vmem>> -> memref<100xi32, #tpu.memory_space<vmem>>
      %dma_start3A_387 = arith.constant 0 : i32
      %dma_start3A_388 = arith.constant 0 : i32
      %dma_start3A_389 = tpu.memref_slice %arg2[%dma_start3A_387, %dma_start3A_388] : memref<10000x128xf32, #tpu.memory_space<hbm>> -> memref<10000x128xf32, #tpu.memory_space<hbm>>
      tpu.enqueue_indirect_dma source(%dma_start3A_389 : memref<10000x128xf32, #tpu.memory_space<hbm>>) target(%arg10 : memref<100x128xf32, #tpu.memory_space<vmem>>) offsets(%dma_start3A_386 : memref<100xi32, #tpu.memory_space<vmem>>) semaphore(%arg15 : memref<!tpu.dma_semaphore, #tpu.memory_space<semaphore_mem>>)
      %add3A_390 = arith.constant 4 : i32
      %add3A_391 = arith.addi %mul3A_342, %add3A_390 : i32
      %min3A = arith.constant 98 : i32
      %min3A_392 = arith.minsi %add3A_391, %min3A : i32
      %dma_start3A_393 = arith.constant 0 : i32
      %dma_start3A_394 = arith.constant 0 : i32
      %dma_start3A_395 = tpu.memref_slice %arg3[%dma_start3A_393, %add3A, %min3A_392, %dma_start3A_394] : memref<2x32x100x100xi32, #tpu.memory_space<hbm>> -> memref<1x1x2x100xi32, #tpu.memory_space<hbm>>
      %dma_start3A_396 = tpu.memref_squeeze %dma_start3A_395 : memref<1x1x2x100xi32, #tpu.memory_space<hbm>> -> memref<2x100xi32, #tpu.memory_space<hbm>>
      %dma_start3A_397 = arith.constant 0 : i32
      %dma_start3A_398 = tpu.memref_slice %arg3[%dma_start3A_393, %add3A, %min3A_392, %dma_start3A_397] : memref<2x32x100x100xi32, #tpu.memory_space<hbm>> -> memref<1x1x2x100xi32, #tpu.memory_space<hbm>>
      %dma_start3A_399 = tpu.memref_squeeze %dma_start3A_398 : memref<1x1x2x100xi32, #tpu.memory_space<hbm>> -> memref<2x100xi32, #tpu.memory_space<hbm>>
      tpu.enqueue_dma source(%dma_start3A_399 : memref<2x100xi32, #tpu.memory_space<hbm>>) target(%arg5 : memref<2x100xi32, #tpu.memory_space<vmem>>) target_semaphore(%arg12 : memref<!tpu.dma_semaphore, #tpu.memory_space<semaphore_mem>>)
      %dma_start3A_400 = arith.constant 1 : i32
      %dma_start3A_401 = arith.constant 0 : i32
      %dma_start3A_402 = tpu.memref_slice %arg3[%dma_start3A_400, %add3A, %min3A_392, %dma_start3A_401] : memref<2x32x100x100xi32, #tpu.memory_space<hbm>> -> memref<1x1x2x100xi32, #tpu.memory_space<hbm>>
      %dma_start3A_403 = tpu.memref_squeeze %dma_start3A_402 : memref<1x1x2x100xi32, #tpu.memory_space<hbm>> -> memref<2x100xi32, #tpu.memory_space<hbm>>
      %dma_start3A_404 = arith.constant 0 : i32
      %dma_start3A_405 = tpu.memref_slice %arg3[%dma_start3A_400, %add3A, %min3A_392, %dma_start3A_404] : memref<2x32x100x100xi32, #tpu.memory_space<hbm>> -> memref<1x1x2x100xi32, #tpu.memory_space<hbm>>
      %dma_start3A_406 = tpu.memref_squeeze %dma_start3A_405 : memref<1x1x2x100xi32, #tpu.memory_space<hbm>> -> memref<2x100xi32, #tpu.memory_space<hbm>>
      tpu.enqueue_dma source(%dma_start3A_406 : memref<2x100xi32, #tpu.memory_space<hbm>>) target(%arg6 : memref<2x100xi32, #tpu.memory_space<vmem>>) target_semaphore(%arg12 : memref<!tpu.dma_semaphore, #tpu.memory_space<semaphore_mem>>)
      %dma_wait3A_407 = arith.constant 0 : i32
      %dma_wait3A_408 = arith.constant 0 : i32
      %dma_wait3A_409 = tpu.memref_slice %arg7[%dma_wait3A_407, %dma_wait3A_408] : memref<2x100xi32, #tpu.memory_space<vmem>> -> memref<1x100xi32, #tpu.memory_space<vmem>>
      %dma_wait3A_410 = tpu.memref_squeeze %dma_wait3A_409 : memref<1x100xi32, #tpu.memory_space<vmem>> -> memref<100xi32, #tpu.memory_space<vmem>>
      %dma_wait3A_411 = arith.constant 0 : i32
      %dma_wait3A_412 = arith.constant 0 : i32
      %dma_wait3A_413 = tpu.memref_slice %arg2[%dma_wait3A_411, %dma_wait3A_412] : memref<10000x128xf32, #tpu.memory_space<hbm>> -> memref<10000x128xf32, #tpu.memory_space<hbm>>
      tpu.wait_indirect_dma semaphore(%arg14 : memref<!tpu.dma_semaphore, #tpu.memory_space<semaphore_mem>>) src(%dma_wait3A_413 : memref<10000x128xf32, #tpu.memory_space<hbm>>) dst(%arg9 : memref<100x128xf32, #tpu.memory_space<vmem>>)
      %run_scoped3A_414 = arith.constant 0 : i32
      "tpu.region"() ({
        %run_scoped3A_473 = tpu.sem_alloc : memref<!tpu.dma_semaphore, #tpu.memory_space<semaphore_mem>>
        %dma_start3A_474 = arith.constant 0 : i32
        %dma_start3A_475 = tpu.memref_slice %arg8[%run_scoped3A_414, %dma_start3A_474] : memref<2x100xi32, #tpu.memory_space<vmem>> -> memref<1x100xi32, #tpu.memory_space<vmem>>
        %dma_start3A_476 = tpu.memref_squeeze %dma_start3A_475 : memref<1x100xi32, #tpu.memory_space<vmem>> -> memref<100xi32, #tpu.memory_space<vmem>>
        %dma_start3A_477 = arith.constant 0 : i32
        %dma_start3A_478 = arith.constant 0 : i32
        %dma_start3A_479 = tpu.memref_slice %arg11[%dma_start3A_477, %dma_start3A_478] : memref<10240x128xf32, #tpu.memory_space<vmem_shared>> -> memref<10240x128xf32, #tpu.memory_space<vmem_shared>>
        tpu.enqueue_indirect_dma source(%arg9 : memref<100x128xf32, #tpu.memory_space<vmem>>) target(%dma_start3A_479 : memref<10240x128xf32, #tpu.memory_space<vmem_shared>>) offsets(%dma_start3A_476 : memref<100xi32, #tpu.memory_space<vmem>>) semaphore(%run_scoped3A_473 : memref<!tpu.dma_semaphore, #tpu.memory_space<semaphore_mem>>) {add = true}
        %dma_wait3A_480 = arith.constant 0 : i32
        %dma_wait3A_481 = tpu.memref_slice %arg8[%run_scoped3A_414, %dma_wait3A_480] : memref<2x100xi32, #tpu.memory_space<vmem>> -> memref<1x100xi32, #tpu.memory_space<vmem>>
        %dma_wait3A_482 = tpu.memref_squeeze %dma_wait3A_481 : memref<1x100xi32, #tpu.memory_space<vmem>> -> memref<100xi32, #tpu.memory_space<vmem>>
        %dma_wait3A_483 = arith.constant 0 : i32
        %dma_wait3A_484 = arith.constant 0 : i32
        %dma_wait3A_485 = tpu.memref_slice %arg11[%dma_wait3A_483, %dma_wait3A_484] : memref<10240x128xf32, #tpu.memory_space<vmem_shared>> -> memref<10240x128xf32, #tpu.memory_space<vmem_shared>>
        tpu.wait_indirect_dma semaphore(%run_scoped3A_473 : memref<!tpu.dma_semaphore, #tpu.memory_space<semaphore_mem>>) src(%arg9 : memref<100x128xf32, #tpu.memory_space<vmem>>) dst(%dma_wait3A_485 : memref<10240x128xf32, #tpu.memory_space<vmem_shared>>)
        tpu.yield
      }) : () -> ()
      %dma_wait3A_415 = arith.constant 0 : i32
      %dma_wait3A_416 = arith.constant 0 : i32
      %dma_wait3A_417 = arith.constant 0 : i32
      %dma_wait3A_418 = tpu.memref_slice %arg3[%dma_wait3A_415, %add3A, %dma_wait3A_416, %dma_wait3A_417] : memref<2x32x100x100xi32, #tpu.memory_space<hbm>> -> memref<1x1x2x100xi32, #tpu.memory_space<hbm>>
      %dma_wait3A_419 = tpu.memref_squeeze %dma_wait3A_418 : memref<1x1x2x100xi32, #tpu.memory_space<hbm>> -> memref<2x100xi32, #tpu.memory_space<hbm>>
      %dma_wait3A_420 = arith.constant 0 : i32
      %dma_wait3A_421 = arith.constant 0 : i32
      %dma_wait3A_422 = tpu.memref_slice %arg3[%dma_wait3A_415, %add3A, %dma_wait3A_420, %dma_wait3A_421] : memref<2x32x100x100xi32, #tpu.memory_space<hbm>> -> memref<1x1x2x100xi32, #tpu.memory_space<hbm>>
      %dma_wait3A_423 = tpu.memref_squeeze %dma_wait3A_422 : memref<1x1x2x100xi32, #tpu.memory_space<hbm>> -> memref<2x100xi32, #tpu.memory_space<hbm>>
      tpu.wait_dma2 semaphore(%arg12 : memref<!tpu.dma_semaphore, #tpu.memory_space<semaphore_mem>>) src(%dma_wait3A_423 : memref<2x100xi32, #tpu.memory_space<hbm>>) dst(%arg5 : memref<2x100xi32, #tpu.memory_space<vmem>>)
      %dma_wait3A_424 = arith.constant 1 : i32
      %dma_wait3A_425 = arith.constant 0 : i32
      %dma_wait3A_426 = arith.constant 0 : i32
      %dma_wait3A_427 = tpu.memref_slice %arg3[%dma_wait3A_424, %add3A, %dma_wait3A_425, %dma_wait3A_426] : memref<2x32x100x100xi32, #tpu.memory_space<hbm>> -> memref<1x1x2x100xi32, #tpu.memory_space<hbm>>
      %dma_wait3A_428 = tpu.memref_squeeze %dma_wait3A_427 : memref<1x1x2x100xi32, #tpu.memory_space<hbm>> -> memref<2x100xi32, #tpu.memory_space<hbm>>
      %dma_wait3A_429 = arith.constant 0 : i32
      %dma_wait3A_430 = arith.constant 0 : i32
      %dma_wait3A_431 = tpu.memref_slice %arg3[%dma_wait3A_424, %add3A, %dma_wait3A_429, %dma_wait3A_430] : memref<2x32x100x100xi32, #tpu.memory_space<hbm>> -> memref<1x1x2x100xi32, #tpu.memory_space<hbm>>
      %dma_wait3A_432 = tpu.memref_squeeze %dma_wait3A_431 : memref<1x1x2x100xi32, #tpu.memory_space<hbm>> -> memref<2x100xi32, #tpu.memory_space<hbm>>
      tpu.wait_dma2 semaphore(%arg12 : memref<!tpu.dma_semaphore, #tpu.memory_space<semaphore_mem>>) src(%dma_wait3A_432 : memref<2x100xi32, #tpu.memory_space<hbm>>) dst(%arg6 : memref<2x100xi32, #tpu.memory_space<vmem>>)
      %dma_start3A_433 = arith.constant 0 : i32
      %dma_start3A_434 = arith.constant 0 : i32
      %dma_start3A_435 = tpu.memref_slice %arg5[%dma_start3A_433, %dma_start3A_434] : memref<2x100xi32, #tpu.memory_space<vmem>> -> memref<1x100xi32, #tpu.memory_space<vmem>>
      %dma_start3A_436 = tpu.memref_squeeze %dma_start3A_435 : memref<1x100xi32, #tpu.memory_space<vmem>> -> memref<100xi32, #tpu.memory_space<vmem>>
      %dma_start3A_437 = arith.constant 0 : i32
      %dma_start3A_438 = arith.constant 0 : i32
      %dma_start3A_439 = tpu.memref_slice %arg2[%dma_start3A_437, %dma_start3A_438] : memref<10000x128xf32, #tpu.memory_space<hbm>> -> memref<10000x128xf32, #tpu.memory_space<hbm>>
      tpu.enqueue_indirect_dma source(%dma_start3A_439 : memref<10000x128xf32, #tpu.memory_space<hbm>>) target(%arg9 : memref<100x128xf32, #tpu.memory_space<vmem>>) offsets(%dma_start3A_436 : memref<100xi32, #tpu.memory_space<vmem>>) semaphore(%arg14 : memref<!tpu.dma_semaphore, #tpu.memory_space<semaphore_mem>>)
      %dma_wait3A_440 = arith.constant 1 : i32
      %dma_wait3A_441 = arith.constant 0 : i32
      %dma_wait3A_442 = tpu.memref_slice %arg7[%dma_wait3A_440, %dma_wait3A_441] : memref<2x100xi32, #tpu.memory_space<vmem>> -> memref<1x100xi32, #tpu.memory_space<vmem>>
      %dma_wait3A_443 = tpu.memref_squeeze %dma_wait3A_442 : memref<1x100xi32, #tpu.memory_space<vmem>> -> memref<100xi32, #tpu.memory_space<vmem>>
      %dma_wait3A_444 = arith.constant 0 : i32
      %dma_wait3A_445 = arith.constant 0 : i32
      %dma_wait3A_446 = tpu.memref_slice %arg2[%dma_wait3A_444, %dma_wait3A_445] : memref<10000x128xf32, #tpu.memory_space<hbm>> -> memref<10000x128xf32, #tpu.memory_space<hbm>>
      tpu.wait_indirect_dma semaphore(%arg15 : memref<!tpu.dma_semaphore, #tpu.memory_space<semaphore_mem>>) src(%dma_wait3A_446 : memref<10000x128xf32, #tpu.memory_space<hbm>>) dst(%arg10 : memref<100x128xf32, #tpu.memory_space<vmem>>)
      %run_scoped3A_447 = arith.constant 1 : i32
      "tpu.region"() ({
        %run_scoped3A_473 = tpu.sem_alloc : memref<!tpu.dma_semaphore, #tpu.memory_space<semaphore_mem>>
        %dma_start3A_474 = arith.constant 0 : i32
        %dma_start3A_475 = tpu.memref_slice %arg8[%run_scoped3A_447, %dma_start3A_474] : memref<2x100xi32, #tpu.memory_space<vmem>> -> memref<1x100xi32, #tpu.memory_space<vmem>>
        %dma_start3A_476 = tpu.memref_squeeze %dma_start3A_475 : memref<1x100xi32, #tpu.memory_space<vmem>> -> memref<100xi32, #tpu.memory_space<vmem>>
        %dma_start3A_477 = arith.constant 0 : i32
        %dma_start3A_478 = arith.constant 0 : i32
        %dma_start3A_479 = tpu.memref_slice %arg11[%dma_start3A_477, %dma_start3A_478] : memref<10240x128xf32, #tpu.memory_space<vmem_shared>> -> memref<10240x128xf32, #tpu.memory_space<vmem_shared>>
        tpu.enqueue_indirect_dma source(%arg10 : memref<100x128xf32, #tpu.memory_space<vmem>>) target(%dma_start3A_479 : memref<10240x128xf32, #tpu.memory_space<vmem_shared>>) offsets(%dma_start3A_476 : memref<100xi32, #tpu.memory_space<vmem>>) semaphore(%run_scoped3A_473 : memref<!tpu.dma_semaphore, #tpu.memory_space<semaphore_mem>>) {add = true}
        %dma_wait3A_480 = arith.constant 0 : i32
        %dma_wait3A_481 = tpu.memref_slice %arg8[%run_scoped3A_447, %dma_wait3A_480] : memref<2x100xi32, #tpu.memory_space<vmem>> -> memref<1x100xi32, #tpu.memory_space<vmem>>
        %dma_wait3A_482 = tpu.memref_squeeze %dma_wait3A_481 : memref<1x100xi32, #tpu.memory_space<vmem>> -> memref<100xi32, #tpu.memory_space<vmem>>
        %dma_wait3A_483 = arith.constant 0 : i32
        %dma_wait3A_484 = arith.constant 0 : i32
        %dma_wait3A_485 = tpu.memref_slice %arg11[%dma_wait3A_483, %dma_wait3A_484] : memref<10240x128xf32, #tpu.memory_space<vmem_shared>> -> memref<10240x128xf32, #tpu.memory_space<vmem_shared>>
        tpu.wait_indirect_dma semaphore(%run_scoped3A_473 : memref<!tpu.dma_semaphore, #tpu.memory_space<semaphore_mem>>) src(%arg10 : memref<100x128xf32, #tpu.memory_space<vmem>>) dst(%dma_wait3A_485 : memref<10240x128xf32, #tpu.memory_space<vmem_shared>>)
        tpu.yield
      }) : () -> ()
      %dma_start3A_448 = arith.constant 1 : i32
      %dma_start3A_449 = arith.constant 0 : i32
      %dma_start3A_450 = tpu.memref_slice %arg5[%dma_start3A_448, %dma_start3A_449] : memref<2x100xi32, #tpu.memory_space<vmem>> -> memref<1x100xi32, #tpu.memory_space<vmem>>
      %dma_start3A_451 = tpu.memref_squeeze %dma_start3A_450 : memref<1x100xi32, #tpu.memory_space<vmem>> -> memref<100xi32, #tpu.memory_space<vmem>>
      %dma_start3A_452 = arith.constant 0 : i32
      %dma_start3A_453 = arith.constant 0 : i32
      %dma_start3A_454 = tpu.memref_slice %arg2[%dma_start3A_452, %dma_start3A_453] : memref<10000x128xf32, #tpu.memory_space<hbm>> -> memref<10000x128xf32, #tpu.memory_space<hbm>>
      tpu.enqueue_indirect_dma source(%dma_start3A_454 : memref<10000x128xf32, #tpu.memory_space<hbm>>) target(%arg10 : memref<100x128xf32, #tpu.memory_space<vmem>>) offsets(%dma_start3A_451 : memref<100xi32, #tpu.memory_space<vmem>>) semaphore(%arg15 : memref<!tpu.dma_semaphore, #tpu.memory_space<semaphore_mem>>)
      %add3A_455 = arith.constant 6 : i32
      %add3A_456 = arith.addi %mul3A_342, %add3A_455 : i32
      %min3A_457 = arith.constant 98 : i32
      %min3A_458 = arith.minsi %add3A_456, %min3A_457 : i32
      %dma_start3A_459 = arith.constant 0 : i32
      %dma_start3A_460 = arith.constant 0 : i32
      %dma_start3A_461 = tpu.memref_slice %arg3[%dma_start3A_459, %add3A, %min3A_458, %dma_start3A_460] : memref<2x32x100x100xi32, #tpu.memory_space<hbm>> -> memref<1x1x2x100xi32, #tpu.memory_space<hbm>>
      %dma_start3A_462 = tpu.memref_squeeze %dma_start3A_461 : memref<1x1x2x100xi32, #tpu.memory_space<hbm>> -> memref<2x100xi32, #tpu.memory_space<hbm>>
      %dma_start3A_463 = arith.constant 0 : i32
      %dma_start3A_464 = tpu.memref_slice %arg3[%dma_start3A_459, %add3A, %min3A_458, %dma_start3A_463] : memref<2x32x100x100xi32, #tpu.memory_space<hbm>> -> memref<1x1x2x100xi32, #tpu.memory_space<hbm>>
      %dma_start3A_465 = tpu.memref_squeeze %dma_start3A_464 : memref<1x1x2x100xi32, #tpu.memory_space<hbm>> -> memref<2x100xi32, #tpu.memory_space<hbm>>
      tpu.enqueue_dma source(%dma_start3A_465 : memref<2x100xi32, #tpu.memory_space<hbm>>) target(%arg7 : memref<2x100xi32, #tpu.memory_space<vmem>>) target_semaphore(%arg13 : memref<!tpu.dma_semaphore, #tpu.memory_space<semaphore_mem>>)
      %dma_start3A_466 = arith.constant 1 : i32
      %dma_start3A_467 = arith.constant 0 : i32
      %dma_start3A_468 = tpu.memref_slice %arg3[%dma_start3A_466, %add3A, %min3A_458, %dma_start3A_467] : memref<2x32x100x100xi32, #tpu.memory_space<hbm>> -> memref<1x1x2x100xi32, #tpu.memory_space<hbm>>
      %dma_start3A_469 = tpu.memref_squeeze %dma_start3A_468 : memref<1x1x2x100xi32, #tpu.memory_space<hbm>> -> memref<2x100xi32, #tpu.memory_space<hbm>>
      %dma_start3A_470 = arith.constant 0 : i32
      %dma_start3A_471 = tpu.memref_slice %arg3[%dma_start3A_466, %add3A, %min3A_458, %dma_start3A_470] : memref<2x32x100x100xi32, #tpu.memory_space<hbm>> -> memref<1x1x2x100xi32, #tpu.memory_space<hbm>>
      %dma_start3A_472 = tpu.memref_squeeze %dma_start3A_471 : memref<1x1x2x100xi32, #tpu.memory_space<hbm>> -> memref<2x100xi32, #tpu.memory_space<hbm>>
      tpu.enqueue_dma source(%dma_start3A_472 : memref<2x100xi32, #tpu.memory_space<hbm>>) target(%arg8 : memref<2x100xi32, #tpu.memory_space<vmem>>) target_semaphore(%arg13 : memref<!tpu.dma_semaphore, #tpu.memory_space<semaphore_mem>>)
    }
    %scan3A_302 = arith.constant 25 : i32
    %dma_wait3A_303 = arith.constant 0 : i32
    %dma_wait3A_304 = arith.constant 0 : i32
    %dma_wait3A_305 = tpu.memref_slice %arg5[%dma_wait3A_303, %dma_wait3A_304] : memref<2x100xi32, #tpu.memory_space<vmem>> -> memref<1x100xi32, #tpu.memory_space<vmem>>
    %dma_wait3A_306 = tpu.memref_squeeze %dma_wait3A_305 : memref<1x100xi32, #tpu.memory_space<vmem>> -> memref<100xi32, #tpu.memory_space<vmem>>
    %dma_wait3A_307 = arith.constant 0 : i32
    %dma_wait3A_308 = arith.constant 0 : i32
    %dma_wait3A_309 = tpu.memref_slice %arg2[%dma_wait3A_307, %dma_wait3A_308] : memref<10000x128xf32, #tpu.memory_space<hbm>> -> memref<10000x128xf32, #tpu.memory_space<hbm>>
    tpu.wait_indirect_dma semaphore(%arg14 : memref<!tpu.dma_semaphore, #tpu.memory_space<semaphore_mem>>) src(%dma_wait3A_309 : memref<10000x128xf32, #tpu.memory_space<hbm>>) dst(%arg9 : memref<100x128xf32, #tpu.memory_space<vmem>>)
    %dma_wait3A_310 = arith.constant 1 : i32
    %dma_wait3A_311 = arith.constant 0 : i32
    %dma_wait3A_312 = tpu.memref_slice %arg5[%dma_wait3A_310, %dma_wait3A_311] : memref<2x100xi32, #tpu.memory_space<vmem>> -> memref<1x100xi32, #tpu.memory_space<vmem>>
    %dma_wait3A_313 = tpu.memref_squeeze %dma_wait3A_312 : memref<1x100xi32, #tpu.memory_space<vmem>> -> memref<100xi32, #tpu.memory_space<vmem>>
    %dma_wait3A_314 = arith.constant 0 : i32
    %dma_wait3A_315 = arith.constant 0 : i32
    %dma_wait3A_316 = tpu.memref_slice %arg2[%dma_wait3A_314, %dma_wait3A_315] : memref<10000x128xf32, #tpu.memory_space<hbm>> -> memref<10000x128xf32, #tpu.memory_space<hbm>>
    tpu.wait_indirect_dma semaphore(%arg15 : memref<!tpu.dma_semaphore, #tpu.memory_space<semaphore_mem>>) src(%dma_wait3A_316 : memref<10000x128xf32, #tpu.memory_space<hbm>>) dst(%arg10 : memref<100x128xf32, #tpu.memory_space<vmem>>)
    %dma_wait3A_317 = arith.constant 0 : i32
    %dma_wait3A_318 = arith.constant 0 : i32
    %dma_wait3A_319 = arith.constant 0 : i32
    %dma_wait3A_320 = tpu.memref_slice %arg3[%dma_wait3A_317, %add3A, %dma_wait3A_318, %dma_wait3A_319] : memref<2x32x100x100xi32, #tpu.memory_space<hbm>> -> memref<1x1x2x100xi32, #tpu.memory_space<hbm>>
    %dma_wait3A_321 = tpu.memref_squeeze %dma_wait3A_320 : memref<1x1x2x100xi32, #tpu.memory_space<hbm>> -> memref<2x100xi32, #tpu.memory_space<hbm>>
    %dma_wait3A_322 = arith.constant 0 : i32
    %dma_wait3A_323 = arith.constant 0 : i32
    %dma_wait3A_324 = tpu.memref_slice %arg3[%dma_wait3A_317, %add3A, %dma_wait3A_322, %dma_wait3A_323] : memref<2x32x100x100xi32, #tpu.memory_space<hbm>> -> memref<1x1x2x100xi32, #tpu.memory_space<hbm>>
    %dma_wait3A_325 = tpu.memref_squeeze %dma_wait3A_324 : memref<1x1x2x100xi32, #tpu.memory_space<hbm>> -> memref<2x100xi32, #tpu.memory_space<hbm>>
    tpu.wait_dma2 semaphore(%arg13 : memref<!tpu.dma_semaphore, #tpu.memory_space<semaphore_mem>>) src(%dma_wait3A_325 : memref<2x100xi32, #tpu.memory_space<hbm>>) dst(%arg7 : memref<2x100xi32, #tpu.memory_space<vmem>>)
    %dma_wait3A_326 = arith.constant 1 : i32
    %dma_wait3A_327 = arith.constant 0 : i32
    %dma_wait3A_328 = arith.constant 0 : i32
    %dma_wait3A_329 = tpu.memref_slice %arg3[%dma_wait3A_326, %add3A, %dma_wait3A_327, %dma_wait3A_328] : memref<2x32x100x100xi32, #tpu.memory_space<hbm>> -> memref<1x1x2x100xi32, #tpu.memory_space<hbm>>
    %dma_wait3A_330 = tpu.memref_squeeze %dma_wait3A_329 : memref<1x1x2x100xi32, #tpu.memory_space<hbm>> -> memref<2x100xi32, #tpu.memory_space<hbm>>
    %dma_wait3A_331 = arith.constant 0 : i32
    %dma_wait3A_332 = arith.constant 0 : i32
    %dma_wait3A_333 = tpu.memref_slice %arg3[%dma_wait3A_326, %add3A, %dma_wait3A_331, %dma_wait3A_332] : memref<2x32x100x100xi32, #tpu.memory_space<hbm>> -> memref<1x1x2x100xi32, #tpu.memory_space<hbm>>
    %dma_wait3A_334 = tpu.memref_squeeze %dma_wait3A_333 : memref<1x1x2x100xi32, #tpu.memory_space<hbm>> -> memref<2x100xi32, #tpu.memory_space<hbm>>
    tpu.wait_dma2 semaphore(%arg13 : memref<!tpu.dma_semaphore, #tpu.memory_space<semaphore_mem>>) src(%dma_wait3A_334 : memref<2x100xi32, #tpu.memory_space<hbm>>) dst(%arg8 : memref<2x100xi32, #tpu.memory_space<vmem>>)
    %barrier3A_335 = arith.constant 0 : index
    tpu.barrier barrier_id(%barrier3A_335)
    %mul3A_336 = arith.constant 640 : i32
    %mul3A_337 = arith.muli %arg1, %mul3A_336 : i32
    %mul3A_338 = arith.constant 640 : i32
    %mul3A_339 = arith.muli %arg1, %mul3A_338 : i32
    "tpu.region"() ({
      %run_scoped3A = tpu.sem_alloc : memref<!tpu.dma_semaphore, #tpu.memory_space<semaphore_mem>>
      %dma_start3A_340 = arith.constant 0 : i32
      %dma_start3A_341 = tpu.memref_slice %arg4[%arg0, %mul3A_339, %dma_start3A_340] : memref<2x10240x128xf32, #tpu.memory_space<hbm>> -> memref<1x640x128xf32, #tpu.memory_space<hbm>>
      %dma_start3A_342 = tpu.memref_squeeze %dma_start3A_341 : memref<1x640x128xf32, #tpu.memory_space<hbm>> -> memref<640x128xf32, #tpu.memory_space<hbm>>
      %dma_start3A_343 = arith.constant 0 : i32
      %dma_start3A_344 = tpu.memref_slice %arg11[%mul3A_337, %dma_start3A_343] : memref<10240x128xf32, #tpu.memory_space<vmem_shared>> -> memref<640x128xf32, #tpu.memory_space<vmem_shared>>
      tpu.enqueue_dma source(%dma_start3A_344 : memref<640x128xf32, #tpu.memory_space<vmem_shared>>) target(%dma_start3A_342 : memref<640x128xf32, #tpu.memory_space<hbm>>) target_semaphore(%run_scoped3A : memref<!tpu.dma_semaphore, #tpu.memory_space<semaphore_mem>>)
      %dma_wait3A_345 = arith.constant 0 : i32
      %dma_wait3A_346 = tpu.memref_slice %arg4[%arg0, %mul3A_339, %dma_wait3A_345] : memref<2x10240x128xf32, #tpu.memory_space<hbm>> -> memref<1x640x128xf32, #tpu.memory_space<hbm>>
      %dma_wait3A_347 = tpu.memref_squeeze %dma_wait3A_346 : memref<1x640x128xf32, #tpu.memory_space<hbm>> -> memref<640x128xf32, #tpu.memory_space<hbm>>
      %dma_wait3A_348 = arith.constant 0 : i32
      %dma_wait3A_349 = tpu.memref_slice %arg11[%mul3A_337, %dma_wait3A_348] : memref<10240x128xf32, #tpu.memory_space<vmem_shared>> -> memref<640x128xf32, #tpu.memory_space<vmem_shared>>
      tpu.wait_dma2 semaphore(%run_scoped3A : memref<!tpu.dma_semaphore, #tpu.memory_space<semaphore_mem>>) src(%dma_wait3A_349 : memref<640x128xf32, #tpu.memory_space<vmem_shared>>) dst(%dma_wait3A_347 : memref<640x128xf32, #tpu.memory_space<hbm>>)
      tpu.yield
    }) : () -> ()
    return
  }
}

module attributes {stable_mosaic.version = 14 : i64} {
  func.func @_add_body(%arg0: i32, %arg1: memref<2x1000x128xf32, #tpu.memory_space<vmem>>, %arg2: memref<1000x128xf32, #tpu.memory_space<vmem>>) attributes {dimension_semantics = [#tpu.dimension_semantics<arbitrary>], iteration_bounds = array<i64: 10>, scalar_prefetch = 0 : i64, scratch_operands = 0 : i64, tpu.core_type = #tpu.core_type<tc>, window_params = [{transform_indices = @transform_0, window_bounds = array<i64: 2, 1000, 128>}, {transform_indices = @transform_1, window_bounds = array<i64: 1000, 128>}]} {
    %get3A = arith.constant 0 : index
    %get3A_0 = arith.constant 0 : index
    %get3A_1 = arith.constant 0 : index
    %get3A_2 = vector.load %arg1[%get3A, %get3A_0, %get3A_1] : memref<2x1000x128xf32, #tpu.memory_space<vmem>>, vector<1x1000x128xf32>
    %get3A_3 = vector.shape_cast %get3A_2 : vector<1x1000x128xf32> to vector<1000x128xf32>
    %get3A_4 = arith.constant 1 : index
    %get3A_5 = arith.constant 0 : index
    %get3A_6 = arith.constant 0 : index
    %get3A_7 = vector.load %arg1[%get3A_4, %get3A_5, %get3A_6] : memref<2x1000x128xf32, #tpu.memory_space<vmem>>, vector<1x1000x128xf32>
    %get3A_8 = vector.shape_cast %get3A_7 : vector<1x1000x128xf32> to vector<1000x128xf32>
    %add3A = arith.addf %get3A_3, %get3A_8 : vector<1000x128xf32>
    %swap3A = arith.constant 0 : index
    %swap3A_9 = arith.constant 0 : index
    %swap3A_10 = vector.load %arg2[%swap3A, %swap3A_9] : memref<1000x128xf32, #tpu.memory_space<vmem>>, vector<1000x128xf32>
    tpu.vector_store %arg2[%swap3A, %swap3A_9], %add3A {strides = array<i32>} : memref<1000x128xf32, #tpu.memory_space<vmem>>, vector<1000x128xf32>,
    return
  }
  func.func @transform_0(%arg0: i32) -> (i32, i32, i32) {
    %c0_i32 = arith.constant 0 : i32
    %c0_i32_0 = arith.constant 0 : i32
    %c0_i32_1 = arith.constant 0 : i32
    return %c0_i32, %arg0, %c0_i32_0 : i32, i32, i32
  }
  func.func @transform_1(%arg0: i32) -> (i32, i32) {
    %c0_i32 = arith.constant 0 : i32
    %c0_i32_0 = arith.constant 0 : i32
    return %arg0, %c0_i32 : i32, i32
  }
}

module attributes {stable_mosaic.version = 14 : i64} {
  func.func @_mlp_body(%arg0: i32, %arg1: memref<2000x128xf32, #tpu.memory_space<vmem>>, %arg2: memref<128x128xf32, #tpu.memory_space<vmem>>, %arg3: memref<1x128xf32, #tpu.memory_space<vmem>>, %arg4: memref<128x128xf32, #tpu.memory_space<vmem>>, %arg5: memref<1x128xf32, #tpu.memory_space<vmem>>, %arg6: memref<2000x128xf32, #tpu.memory_space<vmem>>) attributes {dimension_semantics = [#tpu.dimension_semantics<arbitrary>], iteration_bounds = array<i64: 5>, scalar_prefetch = 0 : i64, scratch_operands = 0 : i64, tpu.core_type = #tpu.core_type<tc>, window_params = [{transform_indices = @transform_0, window_bounds = array<i64: 2000, 128>}, {pipeline_mode = #tpu.pipeline_mode<synchronous>, transform_indices = @transform_1, window_bounds = array<i64: 128, 128>}, {pipeline_mode = #tpu.pipeline_mode<synchronous>, transform_indices = @transform_2, window_bounds = array<i64: 1, 128>}, {pipeline_mode = #tpu.pipeline_mode<synchronous>, transform_indices = @transform_3, window_bounds = array<i64: 128, 128>}, {pipeline_mode = #tpu.pipeline_mode<synchronous>, transform_indices = @transform_4, window_bounds = array<i64: 1, 128>}, {transform_indices = @transform_5, window_bounds = array<i64: 2000, 128>}]} {
    %get3A = arith.constant 0 : index
    %get3A_0 = arith.constant 0 : index
    %get3A_1 = vector.load %arg1[%get3A, %get3A_0] : memref<2000x128xf32, #tpu.memory_space<vmem>>, vector<2000x128xf32>
    %get3A_2 = arith.constant 0 : index
    %get3A_3 = arith.constant 0 : index
    %get3A_4 = vector.load %arg2[%get3A_2, %get3A_3] : memref<128x128xf32, #tpu.memory_space<vmem>>, vector<128x128xf32>
    %dot_general3A = arith.constant dense<0.000000e+00> : vector<2000x128xf32>
    %dot_general3A_5 = tpu.matmul %get3A_1, %get3A_4, %dot_general3A {dimension_numbers = #tpu.dot_dimension_numbers<[1], [0], [0], [1], [0, 0, 1, 1], [], []>, transpose_lhs_hint = false} : vector<2000x128xf32>, vector<128x128xf32>, vector<2000x128xf32> -> vector<2000x128xf32>
    %get3A_6 = arith.constant 0 : index
    %get3A_7 = arith.constant 0 : index
    %get3A_8 = vector.load %arg3[%get3A_6, %get3A_7] : memref<1x128xf32, #tpu.memory_space<vmem>>, vector<1x128xf32>
    %add3A = vector.broadcast %get3A_8 : vector<1x128xf32> to vector<2000x128xf32>
    %add3A_9 = arith.addf %dot_general3A_5, %add3A : vector<2000x128xf32>
    %max3A = arith.constant 0.000000e+00 : f32
    %max3A_10 = vector.broadcast %max3A : f32 to vector<2000x128xf32>
    %max3A_11 = arith.maximumf %add3A_9, %max3A_10 : vector<2000x128xf32>
    %get3A_12 = arith.constant 0 : index
    %get3A_13 = arith.constant 0 : index
    %get3A_14 = vector.load %arg4[%get3A_12, %get3A_13] : memref<128x128xf32, #tpu.memory_space<vmem>>, vector<128x128xf32>
    %dot_general3A_15 = arith.constant dense<0.000000e+00> : vector<2000x128xf32>
    %dot_general3A_16 = tpu.matmul %max3A_11, %get3A_14, %dot_general3A_15 {dimension_numbers = #tpu.dot_dimension_numbers<[1], [0], [0], [1], [0, 0, 1, 1], [], []>, transpose_lhs_hint = false} : vector<2000x128xf32>, vector<128x128xf32>, vector<2000x128xf32> -> vector<2000x128xf32>
    %get3A_17 = arith.constant 0 : index
    %get3A_18 = arith.constant 0 : index
    %get3A_19 = vector.load %arg5[%get3A_17, %get3A_18] : memref<1x128xf32, #tpu.memory_space<vmem>>, vector<1x128xf32>
    %add3A_20 = vector.broadcast %get3A_19 : vector<1x128xf32> to vector<2000x128xf32>
    %add3A_21 = arith.addf %dot_general3A_16, %add3A_20 : vector<2000x128xf32>
    %max3A_22 = arith.constant 0.000000e+00 : f32
    %max3A_23 = vector.broadcast %max3A_22 : f32 to vector<2000x128xf32>
    %max3A_24 = arith.maximumf %add3A_21, %max3A_23 : vector<2000x128xf32>
    %swap3A = arith.constant 0 : index
    %swap3A_25 = arith.constant 0 : index
    %swap3A_26 = vector.load %arg6[%swap3A, %swap3A_25] : memref<2000x128xf32, #tpu.memory_space<vmem>>, vector<2000x128xf32>
    tpu.vector_store %arg6[%swap3A, %swap3A_25], %max3A_24 {strides = array<i32>} : memref<2000x128xf32, #tpu.memory_space<vmem>>, vector<2000x128xf32>,
    return
  }
  func.func @transform_0(%arg0: i32) -> (i32, i32) {
    %c0_i32 = arith.constant 0 : i32
    %c0_i32_0 = arith.constant 0 : i32
    return %arg0, %c0_i32 : i32, i32
  }
  func.func @transform_1(%arg0: i32) -> (i32, i32) {
    %c0_i32 = arith.constant 0 : i32
    %c0_i32_0 = arith.constant 0 : i32
    %c0_i32_1 = arith.constant 0 : i32
    return %c0_i32, %c0_i32_0 : i32, i32
  }
  func.func @transform_2(%arg0: i32) -> (i32, i32) {
    %c0_i32 = arith.constant 0 : i32
    %c0_i32_0 = arith.constant 0 : i32
    %c0_i32_1 = arith.constant 0 : i32
    return %c0_i32, %c0_i32_0 : i32, i32
  }
  func.func @transform_3(%arg0: i32) -> (i32, i32) {
    %c0_i32 = arith.constant 0 : i32
    %c0_i32_0 = arith.constant 0 : i32
    %c0_i32_1 = arith.constant 0 : i32
    return %c0_i32, %c0_i32_0 : i32, i32
  }
  func.func @transform_4(%arg0: i32) -> (i32, i32) {
    %c0_i32 = arith.constant 0 : i32
    %c0_i32_0 = arith.constant 0 : i32
    %c0_i32_1 = arith.constant 0 : i32
    return %c0_i32, %c0_i32_0 : i32, i32
  }
  func.func @transform_5(%arg0: i32) -> (i32, i32) {
    %c0_i32 = arith.constant 0 : i32
    %c0_i32_0 = arith.constant 0 : i32
    return %arg0, %c0_i32 : i32, i32
  }
}

</mosaic_0001>

<sc_bundles>
// kernel: kernel.5.cloned.1.call-start
scs
__scs_entry_jumppad:
0x0: {  	(pc) =	sbr.rel $0x88, $3  }
0x1: {  	(tag) =	ssettag $0x0;
	lr =	simm.s32 $0x1  }
0x2: {  	[smem:$0x3F9B] =	sst lr;
	_ =	strace $0xD0000000  }
0x3: {  	_ = 	snop  }
0x4: {  	_ = 	snop  }
0x5: {  	_ = 	snop  }
0x6: {  	_ = 	snop  }
0x7: {  	_ = 	snop  }
__scs_overlays_trampoline_lowered:
0x8: {  	[smem:$0x3FAA] =	sst s0  }
0x9: {  	[smem:$0x3FAB] =	sst s1  }
0xa: {  	[smem:$0x3FAC] =	sst s2  }
0xb: {  	[smem:$0x3FAD] =	sst s3  }
0xc: {  	[smem:$0x3FAE] =	sst s4  }
0xd: {  	[smem:$0x3FAF] =	sst s5  }
0xe: {  	[smem:$0x3FB0] =	sst s6  }
0xf: {  	[smem:$0x3FB1] =	sst s7  }
0x10: {  	[smem:$0x3FB2] =	sst s8  }
0x11: {  	[smem:$0x3FB3] =	sst s9;
	s0 =	simm.s32 @!p0 $0x0  }
0x12: {  	s1 =	sld [smem:$0x3F99];
	s0 =	simm.s32 @p0 $0x1  }
0x13: {  	[smem:$0x3FB4] =	sst s0;
	s0 =	simm.s32 @!p1 $0x0  }
0x14: {  	s2 =	sld [smem:$0x3F98];
	s0 =	simm.s32 @p1 $0x1  }
0x15: {  	[smem:$0x3FB5] =	sst s0;
	s0 =	simm.s32 @!p2 $0x0  }
0x16: {  	s3 =	sld [smem:$0x3FDB];
	s0 =	simm.s32 @p2 $0x1  }
0x17: {  	s4 =	simm.s32 $0x1BF5;
	[smem:$0x3FB7] =	sst s0  }
0x18: {  	s0 =	sld [smem:$0x3F9A];
	_ =	swait.ge [sflag:s4], $0x0  }
0x19: {  	s7 =	sld [smem:$0x3F9B]  }
0x1a: {  	s8 =	sadd.s32 $0xFFFFE003, lr  }
0x1b: {  	s9 =	sadd.s32 $0xFFFFFEF7, lr;
	s5 =	simm.s32 $0xFFFFFFFF;
	p2 =	slt.u32 s8, $0xFFFFF086  }
0x1c: {  	p1 =	slt.u32 s9, $0xF7A;
	s5 =	simm.s32 @!p2 $0x0  }
0x1d: {  	s5 =	simm.s32 @p1 $0x1;
	p0 =	seq.s32 s7, s2  }
0x1e: {  	s7 =	smul.u32 @!p0 $0xF7A, s2;
	p2 =	seq.s32 @!p0 s5, $0x0  }
0x1f: {  	s9 =	smul.u32 $0xF7A, s1;
	s8 =	simm.s32 @!p0 $0x1BF5;
	p2 =	por !p2, p0  }
0x20: {  	[sflag:s8] =	ssyncset.s32 @!p0 $0xFFFFF086;
	s6 =	sadd.s32 @!p0 s3, s7;
	s7 =	simm.s32 @!p0 $0x108  }
0x21: {  	s3 =	sadd.s32 s3, s9;
	s6 =	sadd.s32 @!p0 $0x88, s6;
	s7 =	simm.s32 @p2 $0x1082  }
0x22: {  	[simem:s7], [sflag:s8] =	dma.local @!p0 [hbm:s6], $0xF7A  }
0x23: {  	s9 =	sor.u32 $0xD0000000, s2;
	s6 =	simm.s32 $0x108;
	_ =	swait.ge @!p0 [sflag:s8], $0x0  }
0x24: {  	s3 =	sadd.s32 $0x88, s3;
	s6 =	simm.s32 @!p1 $0x1082;
	[sflag:s4] =	ssyncset.s32 $0xFFFFF086  }
0x25: {  	[simem:s6], [sflag:s4] =	dma.local [hbm:s3], $0xF7A  }
0x26: {  	[smem:$0x3F9B] =	sst s1;
	(tag) =	ssettag s2;
	_ =	strace s9  }
0x27: {  	s1 =	sld [smem:$0x3FAB]  }
0x28: {  	s2 =	sld [smem:$0x3FAC]  }
0x29: {  	s4 =	sld [smem:$0x3FAE]  }
0x2a: {  	p0 =	seq.s32 s5, $0x0;
	s5 =	sld [smem:$0x3FAF]  }
0x2b: {  	s6 =	sld [smem:$0x3FB0]  }
0x2c: {  	s7 =	sld [smem:$0x3FB1]  }
0x2d: {  	s3 =	simm.s32 $0x108;
	s8 =	sld [smem:$0x3FB2]  }
0x2e: {  	s3 =	simm.s32 @!p0 $0x1082;
	s9 =	sld [smem:$0x3FB3]  }
0x2f: {  	lr =	sadd.s32 s0, s3;
	s0 =	sld [smem:$0x3FAA]  }
0x30: {  	s3 =	sld [smem:$0x3FAD]  }
0x31: {  	[smem:$0x3FB6] =	sst s10  }
0x32: {  	s10 =	sld [smem:$0x3FB4];
	_ =	sdelay $0x3  }
0x33: {  	p0 =	seq.s32 s10, $0x1;
	s10 =	sld [smem:$0x3FB6];
	_ =	sdelay $0x3  }
0x34: {  	[smem:$0x3FB6] =	sst s10  }
0x35: {  	s10 =	sld [smem:$0x3FB5];
	_ =	sdelay $0x3  }
0x36: {  	p1 =	seq.s32 s10, $0x1;
	s10 =	sld [smem:$0x3FB6];
	_ =	sdelay $0x3  }
0x37: {  	[smem:$0x3FB6] =	sst s10  }
0x38: {  	s10 =	sld [smem:$0x3FB7]  }
0x39: {  	_ = 	snop;
	(pc) =	sbr.ind lr, $3  }
0x3a: {  	_ = 	snop  }
0x3b: {  	_ = 	snop  }
0x3c: {  	p2 =	seq.s32 s10, $0x1;
	s10 =	sld [smem:$0x3FB6]  }
0x3d: {  	_ =	shalt  }
0x3e: {  	_ =	shalt  }
0x3f: {  	_ =	shalt  }
0x40: {  	_ =	shalt  }
0x41: {  	_ =	shalt  }
0x42: {  	_ =	shalt  }
0x43: {  	_ =	shalt  }
0x44: {  	_ =	shalt  }
0x45: {  	_ =	shalt  }
0x46: {  	_ =	shalt  }
0x47: {  	_ =	shalt  }
0x48: {  	_ =	shalt  }
0x49: {  	_ =	shalt  }
0x4a: {  	_ =	shalt  }
0x4b: {  	_ =	shalt  }
0x4c: {  	_ =	shalt  }
0x4d: {  	_ =	shalt  }
0x4e: {  	_ =	shalt  }
0x4f: {  	_ =	shalt  }
0x50: {  	_ =	shalt  }
0x51: {  	_ =	shalt  }
0x52: {  	_ =	shalt  }
0x53: {  	_ =	shalt  }
0x54: {  	_ =	shalt  }
0x55: {  	_ =	shalt  }
0x56: {  	_ =	shalt  }
0x57: {  	_ =	shalt  }
0x58: {  	_ =	shalt  }
0x59: {  	_ =	shalt  }
0x5a: {  	_ =	shalt  }
0x5b: {  	_ =	shalt  }
0x5c: {  	_ =	shalt  }
0x5d: {  	_ =	shalt  }
0x5e: {  	_ =	shalt  }
0x5f: {  	_ =	shalt  }
0x60: {  	_ =	shalt  }
0x61: {  	_ =	shalt  }
0x62: {  	_ =	shalt  }
0x63: {  	_ =	shalt  }
0x64: {  	_ =	shalt  }
0x65: {  	_ =	shalt  }
0x66: {  	_ =	shalt  }
0x67: {  	_ =	shalt  }
0x68: {  	_ =	shalt  }
0x69: {  	_ =	shalt  }
0x6a: {  	_ =	shalt  }
0x6b: {  	_ =	shalt  }
0x6c: {  	_ =	shalt  }
0x6d: {  	_ =	shalt  }
0x6e: {  	_ =	shalt  }
0x6f: {  	_ =	shalt  }
0x70: {  	_ =	shalt  }
0x71: {  	_ =	shalt  }
0x72: {  	_ =	shalt  }
0x73: {  	_ =	shalt  }
0x74: {  	_ =	shalt  }
0x75: {  	_ =	shalt  }
0x76: {  	_ =	shalt  }
0x77: {  	_ =	shalt  }
0x78: {  	_ =	shalt  }
0x79: {  	_ =	shalt  }
0x7a: {  	_ =	shalt  }
0x7b: {  	_ =	shalt  }
0x7c: {  	_ =	shalt  }
0x7d: {  	_ =	shalt  }
0x7e: {  	_ =	shalt  }
0x7f: {  	_ =	shalt  }
0x80: {  	_ =	shalt  }
0x81: {  	_ =	shalt  }
0x82: {  	_ =	shalt  }
0x83: {  	_ =	shalt  }
0x84: {  	_ =	shalt  }
0x85: {  	_ =	shalt  }
0x86: {  	_ =	shalt  }
0x87: {  	_ =	shalt  }
.Lfunc_end0:
.L_simem_size_0:
called_computation_lowered:
.L_overlay_start_0:
0x88: {  	s2 =	sld [smem:$0x3FD9]  }
0x89: {  	s3 =	sld [smem:$0x3FFE];
	_ =	sdelay $0x1  }
0x8a: {  	s1 =	srdreg.scid  }
0x8b: {  	s0 =	sand.u32 $0x1, s1  }
0x8c: {  	s17 =	sshll.u32 s0, $0xA;
	s2 =	sadd.s32 s3, s2  }
0x8d: {  	s2 =	sadd.s32 s2, s17  }
0x8e: {  	[smem:$0x3FC2] =	sst s2  }
0x8f: {  	_ = 	snop  }
0x90: {  	s2 =	sld [smem:$0x3FD0];
	(tm) =	ssettm $0x1  }
0x91: {  	s18 =	sld [smem:$0x3FFB];
	_ =	sdelay $0x3  }
0x92: {  	_ =	strace s18  }
0x93: {  	s3 =	sld [smem:$0x3FFC];
	_ =	sdelay $0x3  }
0x94: {  	_ =	strace s3  }
0x95: {  	s3 =	sld [smem:$0x3FFD];
	_ =	sdelay $0x3  }
0x96: {  	_ =	strace s3  }
0x97: {  	_ =	strace $0x8FFFFFFF  }
0x98: {  	s19 =	sld [smem:$0x3FDB];
	_ =	sdelay $0x1  }
0x99: {  	s4 =	simm.s32 $_scs_section_size  }
0x9a: {  	s5 =	simm.s32 $_size__tile_overlayer_lowered;
	s6 =	simm.s32 $_tile_overlayer_lowered  }
0x9b: {  	s22 =	simm.s32 $0x1BFF;
	s21 =	sshll.u32 s6, $0x1;
	s3 =	sadd.s32 s4, s19  }
0x9c: {  	s7 =	simm.s32 $0x0;
	s20 =	sshll.u32 s5, $0x1;
	s5 =	sadd.s32 s21, s3  }
0x9d: {  	[timem:s7], [sflag:s22] =	dma.local [hbm:s5], s20  }
0x9e: {  	_ =	swait.ge [sflag:s22], s20  }
0x9f: {  	s4 =	ssub.s32 $0x0, s20;
	[sflag:s22] =	ssyncset.done $0x0  }
0xa0: {  	[sflag:s22] =	ssyncadd.s32 s4;
	_ =	sdelay $0x1  }
0xa1: {  	s23 =	simm.s32 $0x1B8B  }
0xa2: {  	_ =	swait.ge [sflag:s23], $0x1  }
0xa3: {  	[sflag:s23] =	ssyncset.done $0x0  }
0xa4: {  	s25 =	simm.s32 $0x1B8E;
	s24 =	sld [smem:$0x3FFE];
	[sflag:s23] =	ssyncadd.s32 $0xFFFFFFFF  }
0xa5: {  	s26 =	simm.s32 $execute0_lowered;
	[smem:$0x3FD2] =	sst s25  }
0xa6: {  	s5 =	sshll.u32 s26, $0x1;
	_ =	strace $0x80000046;
	[dreg:$0x1] =	wrdreg $0xFFFFFFFF  }
0xa7: {  	s28 =	simm.s32 $_size_execute0_lowered;
	s3 =	sadd.s32 s3, s5;
	[dreg:$0x0] =	wrdreg $0x0  }
0xa8: {  	s5 =	sshll.u32 s28, $0x1;
	[dreg:$0x2] =	wrdreg s3  }
0xa9: {  	[dreg:$0x3] =	wrdreg s5  }
0xaa: {  	[dreg:$0x4] =	wrdreg $0xC0  }
0xab: {  	_ =	task [dreg:s7], $0x5FFFF  }
0xac: {  	[dreg:$0x1] =	wrdreg $0xFFFFFFFF  }
0xad: {  	[dreg:$0x0] =	wrdreg $0x60  }
0xae: {  	[dreg:$0x2] =	wrdreg s2  }
0xaf: {  	[dreg:$0x3] =	wrdreg s24  }
0xb0: {  	[dreg:$0x4] =	wrdreg $0x6C000  }
0xb1: {  	[dreg:$0x5] =	wrdreg $0x9  }
0xb2: {  	_ =	task.clear_ibuf [dreg:s7], $0x6FFFF;
	_ =	strace $0x90000046  }
0xb3: {  	s29 =	simm.s32 $0x9;
	_ =	strace $0x80000048  }
0xb4: {  	_ =	swait.ge [sflag:s29], $0x1  }
0xb5: {  	[sflag:s29] =	ssyncadd.s32 $0xFFFFFFFF  }
0xb6: {  	_ =	strace $0x90000048  }
0xb7: {  	_ =	sfence  }
0xb8: {  	s30 =	sld [smem:$0x0];
	_ =	sdelay $0x2  }
0xb9: {  	s31 =	sshll.u32 s1, $0xD;
	s1 =	sshrl.u32 s1, $0x2  }
0xba: {  	s3 =	sand.u32 $0x4000, s31;
	s1 =	sadd.s32 s1, s30  }
0xbb: {  	s0 =	sor.u32 s3, s0;
	s1 =	sshll.u32 s1, $0x11  }
0xbc: {  	s0 =	sor.u32 s1, s0  }
0xbd: {  	s0 =	sadd.s32 $0x8F2B, s0  }
0xbe: {  	[sflag:s0] =	ssyncadd.remote.s32 $0x1  }
0xbf: {  	_ =	sfence.sel $0xFFFF  }
0xc0: {  	[dreg:$0x0] =	wrdreg $0xFFFFFFFF;
	(pc) =	sbr.abs _section_cstart, $3  }
0xc1: {  	[dreg:$0x1] =	wrdreg $0xFFFFFFFF  }
0xc2: {  	_ =	task.clear_ibuf [dreg:s7], $0x2FFFF;
	_ =	strace $0x9FFFFFFF  }
0xc3: {  	(tm) =	ssettm $0x7FFFFFFF  }
tec
execute0_lowered:
.L_overlay_start_1:
0x0: {  	(tag) =	ssettag $0x1  }
0x1: {  	s1 =	rddreg [dreg:$0x0];
	s0 =	srdreg.scid  }
0x2: {  	s2 =	rddreg [dreg:$0x1];
	s9 =	stileid.u32  }
0x3: {  	s3 =	rddreg [dreg:$0x2];
	s4 =	simm.s32 $0x0;
	s24 =	simm.s32 $0x180  }
0x4: {  	s25 =	simm.s32 $0x280;
	s26 =	simm.s32 $0x380;
	s28 =	simm.s32 $0x1  }
0x5: {  	s29 =	simm.s32 $0x64;
	s30 =	simm.s32 $0x80;
	s6 =	smul.u32 $0x14000, s9  }
0x6: {  	s0 =	sand.u32 $0x1, s0;
	[smem:$0x7FF] =	sst s4;
	s7 =	smul.u32 $0x50000, s9  }
0x7: {  	s31 =	simm.s32 $0x3800;
	s5 =	smul.u32 $0x140000, s0;
	_ =	strace $0x80000047  }
0x8: {  	s15 =	ssub.s32 $0x2, s0;
	s0 =	sshll.u32 s0, $0x4;
	[dreg:$0x4] =	wrdreg s24  }
0x9: {  	[dreg:$0x5] =	wrdreg s25;
	s24 =	simm.s32 $0x100;
	s5 =	sadd.s32 s6, s5  }
0xa: {  	[dreg:$0x6] =	wrdreg s26;
	s7 =	sshrl.u32 s7, $0x2;
	s6 =	sshrl.u32 s5, $0x3  }
0xb: {  	s5 =	sadd.s32 $0x1200, s2;
	s2 =	sadd.s32 s6, s2;
	s6 =	sadd.s32 s7, s3  }
0xc: {  	s25 =	simm.s32 $0x200;
	s26 =	simm.s32 $0x300;
	s7 =	sadd.s32 $0x2800, s6  }
0xd: {  	s8 =	sshrl.u32 s15, $0x1;
	s16 =	sadd.s32 $0x5000, s6;
	[dreg:$0x7] =	wrdreg s7  }
0xe: {  	s0 =	sor.u32 s9, s0;
	s17 =	sadd.s32 $0x7800, s6;
	[dreg:$0x8] =	wrdreg s16  }
0xf: {  	s9 =	smul.u32 $0x3400, s0;
	s18 =	sadd.s32 $0xA000, s6;
	[dreg:$0x9] =	wrdreg s17  }
0x10: {  	s8 =	ssub.s32 s15, s8;
	s19 =	sadd.s32 $0xC800, s6;
	[dreg:$0xa] =	wrdreg s18  }
0x11: {  	s21 =	sshrl.u32 s9, $0x3;
	s20 =	sadd.s32 $0xF000, s6;
	[dreg:$0xb] =	wrdreg s19  }
0x12: {  	s14 =	sadd.s32 $0x68000, s9;
	s22 =	sadd.s32 $0x11800, s6;
	[dreg:$0xc] =	wrdreg s20  }
0x13: {  	s23 =	sshrl.u32 s14, $0x3;
	[dreg:$0xd] =	wrdreg s22;
	s16 =	sadd.s32 s5, s21  }
0x14: {  	s0 =	sadd.s32 s5, s23;
	s20 =	sadd.s32 $0x1B200, s2;
	s21 =	smax.u32 s8, $0x1  }
0x15: {  	s22 =	simm.s32 $0x400;
	s23 =	simm.s32 $0x3;
	s2 =	simm.s32 $0x2  }
0x16: {  	s7 =	simm.s32 $0x4;
	s8 =	simm.s32 $0x0;
	[dreg:$0xe] =	wrdreg s0  }
0x17: {  	v0 =	vimm.f32 $0.0e+00;
	s18 =	sadd.s32 $0x20, s16;
	s19 =	sadd.s32 $0xD020, s16;
	s0 =	simm.s32 $0x5  }
.LBB2_1:
0x18: {  	s10 =	simm.s32 $0x0;
	s11 =	simm.s32 $0x200  }
.LBB2_2:
0x19: {  	p0 =	sne.s32 s11, $0x9E00;
	[tilespmem:s10+$0x470] =	vst v0  }
0x1a: {  	[tilespmem:s10+$0x400] =	vst v0  }
0x1b: {  	[tilespmem:s10+$0x410] =	vst v0  }
.Ltmp0:
0x1c: {  	[tilespmem:s10+$0x420] =	vst v0;
	(pc) =	sbr.rel @p0 .LBB2_2-.Ltmp0, $4  }
0x1d: {  	[tilespmem:s10+$0x430] =	vst v0  }
0x1e: {  	[tilespmem:s10+$0x440] =	vst v0  }
0x1f: {  	[tilespmem:s10+$0x450] =	vst v0  }
0x20: {  	[tilespmem:s10+$0x460] =	vst v0;
	s10 =	sshra.s32 s11, $0x2;
	s11 =	sadd.s32 $0x200, s11  }
0x21: {  	[tilespmem:s10+$0x470] =	vst v0  }
0x22: {  	[tilespmem:s10+$0x400] =	vst v0  }
0x23: {  	[tilespmem:s10+$0x410] =	vst v0  }
0x24: {  	[tilespmem:s10+$0x420] =	vst v0  }
0x25: {  	[tilespmem:s10+$0x430] =	vst v0  }
0x26: {  	[tilespmem:s10+$0x440] =	vst v0  }
0x27: {  	[tilespmem:s10+$0x450] =	vst v0  }
0x28: {  	[tilespmem:s10+$0x460] =	vst v0  }
0x29: {  	[spmem:s6] =	stream.linear.scatter [tilespmem:s22], [sflag:$0x3], $0x2800, $0x38;
	[tilespmem:$0x1AC00] =	vst v63  }
0x2a: {  	s11 =	rddreg [dreg:$0x7]  }
0x2b: {  	[spmem:s11] =	stream.linear.scatter [tilespmem:s22], [sflag:$0x3], $0x2800, $0x38;
	[tilespmem:$0x1AC00] =	vst v63  }
0x2c: {  	s12 =	rddreg [dreg:$0x8]  }
0x2d: {  	[spmem:s12] =	stream.linear.scatter [tilespmem:s22], [sflag:$0x3], $0x2800, $0x38;
	[tilespmem:$0x1AC00] =	vst v63  }
0x2e: {  	s13 =	rddreg [dreg:$0x9]  }
0x2f: {  	[spmem:s13] =	stream.linear.scatter [tilespmem:s22], [sflag:$0x3], $0x2800, $0x38;
	[tilespmem:$0x1AC00] =	vst v63  }
0x30: {  	s15 =	rddreg [dreg:$0xa]  }
0x31: {  	[spmem:s15] =	stream.linear.scatter [tilespmem:s22], [sflag:$0x3], $0x2800, $0x38;
	[tilespmem:$0x1AC00] =	vst v63  }
0x32: {  	s17 =	rddreg [dreg:$0xb]  }
0x33: {  	[spmem:s17] =	stream.linear.scatter [tilespmem:s22], [sflag:$0x3], $0x2800, $0x38;
	[tilespmem:$0x1AC00] =	vst v63  }
0x34: {  	s11 =	rddreg [dreg:$0xc]  }
0x35: {  	[spmem:s11] =	stream.linear.scatter [tilespmem:s22], [sflag:$0x3], $0x2800, $0x38;
	[tilespmem:$0x1AC00] =	vst v63  }
0x36: {  	s12 =	rddreg [dreg:$0xd]  }
0x37: {  	[spmem:s12] =	stream.linear.scatter [tilespmem:s22], [sflag:$0x3], $0x2800, $0x38;
	[tilespmem:$0x1AC00] =	vst v63  }
0x38: {  	_ =	swait.ge [sflag:s23], $0x2800  }
0x39: {  	[sflag:s23] =	ssyncset.done $0x0  }
0x3a: {  	[sflag:s23] =	ssyncadd.s32 $0xFFFFD800  }
0x3b: {  	_ =	swait.ge [sflag:s23], $0x2800  }
0x3c: {  	[sflag:s23] =	ssyncset.done $0x0  }
0x3d: {  	[sflag:s23] =	ssyncadd.s32 $0xFFFFD800  }
0x3e: {  	_ =	swait.ge [sflag:s23], $0x2800  }
0x3f: {  	[sflag:s23] =	ssyncset.done $0x0  }
0x40: {  	[sflag:s23] =	ssyncadd.s32 $0xFFFFD800  }
0x41: {  	_ =	swait.ge [sflag:s23], $0x2800  }
0x42: {  	[sflag:s23] =	ssyncset.done $0x0  }
0x43: {  	[sflag:s23] =	ssyncadd.s32 $0xFFFFD800  }
0x44: {  	_ =	swait.ge [sflag:s23], $0x2800  }
0x45: {  	[sflag:s23] =	ssyncset.done $0x0  }
0x46: {  	[sflag:s23] =	ssyncadd.s32 $0xFFFFD800  }
0x47: {  	_ =	swait.ge [sflag:s23], $0x2800  }
0x48: {  	[sflag:s23] =	ssyncset.done $0x0  }
0x49: {  	[sflag:s23] =	ssyncadd.s32 $0xFFFFD800  }
0x4a: {  	_ =	swait.ge [sflag:s23], $0x2800  }
0x4b: {  	[sflag:s23] =	ssyncset.done $0x0  }
0x4c: {  	[sflag:s23] =	ssyncadd.s32 $0xFFFFD800  }
0x4d: {  	_ =	swait.ge [sflag:s23], $0x2800  }
0x4e: {  	[sflag:s23] =	ssyncset.done $0x0  }
0x4f: {  	[sflag:s23] =	ssyncadd.s32 $0xFFFFD800  }
0x50: {  	s10 =	simm.s32 $0x0;
	[bflag:$0x0] =	sbarrier.arrive $0xFFFF  }
0x51: {  	[tilespmem:s10], [sflag:$0x1] =	stream.linear.gather [hbm4b:s16+s10], $0x100, $0x38;
	[tilespmem:$0x1AC00] =	vst v63  }
0x52: {  	s11 =	rddreg [dreg:$0xe]  }
0x53: {  	[tilespmem:s24], [sflag:$0x1] =	stream.linear.gather [hbm4b:s11+s10], $0x100, $0x38;
	[tilespmem:$0x1AC00] =	vst v63  }
0x54: {  	_ = 	snop  }
0x55: {  	[tilespmem:s25], [sflag:$0x2] =	stream.linear.gather [hbm4b:s18+s10], $0x100, $0x38;
	[tilespmem:$0x1AC00] =	vst v63  }
0x56: {  	_ = 	snop  }
0x57: {  	[tilespmem:s26], [sflag:$0x2] =	stream.linear.gather [hbm4b:s19+s10], $0x100, $0x38;
	[tilespmem:$0x1AC00] =	vst v63  }
0x58: {  	_ =	swait.ge [sflag:s28], $0x100  }
0x59: {  	[sflag:s28] =	ssyncset.done $0x0  }
0x5a: {  	[sflag:s28] =	ssyncadd.s32 $0xFFFFFF00  }
0x5b: {  	_ =	swait.ge [sflag:s28], $0x100  }
0x5c: {  	[sflag:s28] =	ssyncset.done $0x0  }
0x5d: {  	[sflag:s28] =	ssyncadd.s32 $0xFFFFFF00  }
0x5e: {  	[tilespmem:s22], [sflag:$0x3] =	stream.indirect.gather [hbm4b:s1+s29], $0x80, s10, s29, $0xb8;
	[tilespmem:$0x1AC00] =	vst v63  }
0x5f: {  	_ = 	snop  }
0x60: {  	[tilespmem:s31], [sflag:$0x4] =	stream.indirect.gather [hbm4b:s1+s29], $0x80, s30, s29, $0xb8;
	[tilespmem:$0x1AC00] =	vst v63  }
0x61: {  	_ =	swait.ge [sflag:s2], $0x100  }
0x62: {  	[sflag:s2] =	ssyncset.done $0x0  }
0x63: {  	[sflag:s2] =	ssyncadd.s32 $0xFFFFFF00  }
0x64: {  	_ =	swait.ge [sflag:s2], $0x100  }
0x65: {  	[sflag:s2] =	ssyncset.done $0x0  }
0x66: {  	[sflag:s2] =	ssyncadd.s32 $0xFFFFFF00  }
0x67: {  	_ =	swait.ge [sflag:s23], $0x3200  }
0x68: {  	[sflag:s23] =	ssyncset.done $0x0  }
0x69: {  	[sflag:s23] =	ssyncadd.s32 $0xFFFFCE00  }
0x6a: {  	[spmem:s3] =	stream.indirect.scatter.add.f32 [tilespmem:s22], [sflag:$0x5], $0x80, s24, s29, $0xb8;
	[tilespmem:$0x1AC00] =	vst v63  }
0x6b: {  	_ =	swait.ge [sflag:s0], $0x3200  }
0x6c: {  	[sflag:s0] =	ssyncset.done $0x0  }
0x6d: {  	[sflag:s0] =	ssyncadd.s32 $0xFFFFCE00  }
0x6e: {  	[tilespmem:s22], [sflag:$0x3] =	stream.indirect.gather [hbm4b:s1+s29], $0x80, s25, s29, $0xb8;
	[tilespmem:$0x1AC00] =	vst v63  }
0x6f: {  	_ =	swait.ge [sflag:s7], $0x3200  }
0x70: {  	s15 =	smin.u32 s10, $0x5E;
	[sflag:s7] =	ssyncset.done $0x0  }
0x71: {  	s11 =	sshll.u32 s15, $0x7;
	s13 =	rddreg [dreg:$0x4];
	[sflag:s7] =	ssyncadd.s32 $0xFFFFCE00  }
0x72: {  	[spmem:s3] =	stream.indirect.scatter.add.f32 [tilespmem:s31], [sflag:$0x5], $0x80, s13, s29, $0xb8;
	[tilespmem:$0x1AC00] =	vst v63  }
0x73: {  	s11 =	sadd.s32 $0x200, s11;
	_ =	swait.ge [sflag:s0], $0x3200  }
0x74: {  	s13 =	sand.u32 $0x7C00, s11;
	s11 =	sand.u32 $0x300, s11;
	[sflag:s0] =	ssyncset.done $0x0  }
0x75: {  	s17 =	sadd.s32 s9, s13;
	s12 =	rddreg [dreg:$0x5];
	[sflag:s0] =	ssyncadd.s32 $0xFFFFCE00  }
0x76: {  	[tilespmem:s31], [sflag:$0x4] =	stream.indirect.gather [hbm4b:s1+s29], $0x80, s12, s29, $0xb8;
	[tilespmem:$0x1AC00] =	vst v63  }
0x77: {  	s13 =	sadd.s32 s14, s13;
	s12 =	sor.u32 s11, s17  }
0x78: {  	s11 =	sor.u32 s11, s13;
	s12 =	sshrl.u32 s12, $0x3  }
0x79: {  	s11 =	sshrl.u32 s11, $0x3;
	s12 =	sadd.s32 s5, s12  }
0x7a: {  	[tilespmem:s4], [sflag:$0x1] =	stream.linear.gather [hbm4b:s12+s4], $0x100, $0x38;
	[tilespmem:$0x1AC00] =	vst v63  }
0x7b: {  	s11 =	sadd.s32 s5, s11  }
0x7c: {  	[tilespmem:s24], [sflag:$0x1] =	stream.linear.gather [hbm4b:s11+s4], $0x100, $0x38;
	[tilespmem:$0x1AC00] =	vst v63  }
0x7d: {  	_ =	swait.ge [sflag:s23], $0x3200  }
0x7e: {  	[sflag:s23] =	ssyncset.done $0x0  }
0x7f: {  	[sflag:s23] =	ssyncadd.s32 $0xFFFFCE00  }
0x80: {  	[spmem:s3] =	stream.indirect.scatter.add.f32 [tilespmem:s22], [sflag:$0x5], $0x80, s26, s29, $0xb8;
	[tilespmem:$0x1AC00] =	vst v63  }
0x81: {  	_ =	swait.ge [sflag:s0], $0x3200  }
0x82: {  	[sflag:s0] =	ssyncset.done $0x0  }
0x83: {  	[sflag:s0] =	ssyncadd.s32 $0xFFFFCE00  }
0x84: {  	_ =	swait.ge [sflag:s28], $0x100  }
0x85: {  	[sflag:s28] =	ssyncset.done $0x0  }
0x86: {  	[sflag:s28] =	ssyncadd.s32 $0xFFFFFF00  }
0x87: {  	s10 =	smin.u32 s10, $0x5C;
	_ =	swait.ge [sflag:s28], $0x100  }
0x88: {  	s10 =	sshll.u32 s10, $0x7;
	[sflag:s28] =	ssyncset.done $0x0  }
0x89: {  	s10 =	sadd.s32 $0x300, s10;
	[sflag:s28] =	ssyncadd.s32 $0xFFFFFF00  }
0x8a: {  	[tilespmem:s22], [sflag:$0x3] =	stream.indirect.gather [hbm4b:s1+s29], $0x80, s4, s29, $0xb8;
	[tilespmem:$0x1AC00] =	vst v63  }
0x8b: {  	s13 =	sand.u32 $0x7C00, s10;
	_ =	swait.ge [sflag:s7], $0x3200  }
0x8c: {  	s10 =	sand.u32 $0x300, s10;
	s15 =	sadd.s32 s9, s13;
	[sflag:s7] =	ssyncset.done $0x0  }
0x8d: {  	s11 =	sor.u32 s10, s15;
	s12 =	rddreg [dreg:$0x6];
	[sflag:s7] =	ssyncadd.s32 $0xFFFFCE00  }
0x8e: {  	[spmem:s3] =	stream.indirect.scatter.add.f32 [tilespmem:s31], [sflag:$0x5], $0x80, s12, s29, $0xb8;
	[tilespmem:$0x1AC00] =	vst v63  }
0x8f: {  	s11 =	sshrl.u32 s11, $0x3;
	s12 =	sadd.s32 s14, s13;
	_ =	swait.ge [sflag:s0], $0x3200  }
0x90: {  	s17 =	sor.u32 s10, s12;
	s10 =	simm.s32 $0x4;
	[sflag:s0] =	ssyncset.done $0x0  }
0x91: {  	s12 =	sadd.s32 s5, s11;
	s13 =	sshrl.u32 s17, $0x3;
	[sflag:s0] =	ssyncadd.s32 $0xFFFFCE00  }
.LBB2_4:
0x92: {  	[tilespmem:s31], [sflag:$0x4] =	stream.indirect.gather [hbm4b:s1+s29], $0x80, s30, s29, $0xb8;
	[tilespmem:$0x1AC00] =	vst v63  }
0x93: {  	_ = 	snop  }
0x94: {  	[tilespmem:s25], [sflag:$0x2] =	stream.linear.gather [hbm4b:s12+s4], $0x100, $0x38;
	[tilespmem:$0x1AC00] =	vst v63  }
0x95: {  	s13 =	sadd.s32 s5, s13  }
0x96: {  	[tilespmem:s26], [sflag:$0x2] =	stream.linear.gather [hbm4b:s13+s4], $0x100, $0x38;
	[tilespmem:$0x1AC00] =	vst v63  }
0x97: {  	_ =	swait.ge [sflag:s2], $0x100  }
0x98: {  	[sflag:s2] =	ssyncset.done $0x0  }
0x99: {  	[sflag:s2] =	ssyncadd.s32 $0xFFFFFF00  }
0x9a: {  	_ =	swait.ge [sflag:s2], $0x100  }
0x9b: {  	[sflag:s2] =	ssyncset.done $0x0  }
0x9c: {  	[sflag:s2] =	ssyncadd.s32 $0xFFFFFF00  }
0x9d: {  	_ =	swait.ge [sflag:s23], $0x3200  }
0x9e: {  	[sflag:s23] =	ssyncset.done $0x0  }
0x9f: {  	[sflag:s23] =	ssyncadd.s32 $0xFFFFCE00  }
0xa0: {  	[spmem:s3] =	stream.indirect.scatter.add.f32 [tilespmem:s22], [sflag:$0x5], $0x80, s24, s29, $0xb8;
	[tilespmem:$0x1AC00] =	vst v63  }
0xa1: {  	s11 =	smov.u32 s10;
	_ =	swait.ge [sflag:s0], $0x3200  }
0xa2: {  	s15 =	smin.u32 s11, $0x5E;
	[sflag:s0] =	ssyncset.done $0x0  }
0xa3: {  	s12 =	sshll.u32 s15, $0x7;
	[sflag:s0] =	ssyncadd.s32 $0xFFFFCE00  }
0xa4: {  	[tilespmem:s22], [sflag:$0x3] =	stream.indirect.gather [hbm4b:s1+s29], $0x80, s25, s29, $0xb8;
	[tilespmem:$0x1AC00] =	vst v63  }
0xa5: {  	s12 =	sadd.s32 $0x200, s12;
	_ =	swait.ge [sflag:s7], $0x3200  }
0xa6: {  	s15 =	sand.u32 $0x7C00, s12;
	[sflag:s7] =	ssyncset.done $0x0  }
0xa7: {  	s12 =	sand.u32 $0x300, s12;
	s17 =	rddreg [dreg:$0x4];
	[sflag:s7] =	ssyncadd.s32 $0xFFFFCE00  }
0xa8: {  	[spmem:s3] =	stream.indirect.scatter.add.f32 [tilespmem:s31], [sflag:$0x5], $0x80, s17, s29, $0xb8;
	[tilespmem:$0x1AC00] =	vst v63  }
0xa9: {  	s13 =	sadd.s32 s9, s15;
	s15 =	sadd.s32 s14, s15;
	_ =	swait.ge [sflag:s0], $0x3200  }
0xaa: {  	s13 =	sor.u32 s12, s13;
	s12 =	sor.u32 s12, s15;
	[sflag:s0] =	ssyncset.done $0x0  }
0xab: {  	s13 =	sshrl.u32 s13, $0x3;
	s17 =	rddreg [dreg:$0x5];
	[sflag:s0] =	ssyncadd.s32 $0xFFFFCE00  }
0xac: {  	[tilespmem:s31], [sflag:$0x4] =	stream.indirect.gather [hbm4b:s1+s29], $0x80, s17, s29, $0xb8;
	[tilespmem:$0x1AC00] =	vst v63  }
0xad: {  	s12 =	sshrl.u32 s12, $0x3;
	s13 =	sadd.s32 s5, s13  }
0xae: {  	[tilespmem:s4], [sflag:$0x1] =	stream.linear.gather [hbm4b:s13+s4], $0x100, $0x38;
	[tilespmem:$0x1AC00] =	vst v63  }
0xaf: {  	s12 =	sadd.s32 s5, s12  }
0xb0: {  	[tilespmem:s24], [sflag:$0x1] =	stream.linear.gather [hbm4b:s12+s4], $0x100, $0x38;
	[tilespmem:$0x1AC00] =	vst v63  }
0xb1: {  	_ =	swait.ge [sflag:s23], $0x3200  }
0xb2: {  	[sflag:s23] =	ssyncset.done $0x0  }
0xb3: {  	[sflag:s23] =	ssyncadd.s32 $0xFFFFCE00  }
0xb4: {  	[spmem:s3] =	stream.indirect.scatter.add.f32 [tilespmem:s22], [sflag:$0x5], $0x80, s26, s29, $0xb8;
	[tilespmem:$0x1AC00] =	vst v63  }
0xb5: {  	_ =	swait.ge [sflag:s0], $0x3200  }
0xb6: {  	[sflag:s0] =	ssyncset.done $0x0  }
0xb7: {  	[sflag:s0] =	ssyncadd.s32 $0xFFFFCE00  }
0xb8: {  	_ =	swait.ge [sflag:s28], $0x100  }
0xb9: {  	[sflag:s28] =	ssyncset.done $0x0  }
0xba: {  	[sflag:s28] =	ssyncadd.s32 $0xFFFFFF00  }
0xbb: {  	s11 =	smin.u32 s11, $0x5C;
	_ =	swait.ge [sflag:s28], $0x100  }
0xbc: {  	s11 =	sshll.u32 s11, $0x7;
	[sflag:s28] =	ssyncset.done $0x0  }
0xbd: {  	p0 =	sne.s32 s10, $0x60;
	s11 =	sadd.s32 $0x300, s11;
	[sflag:s28] =	ssyncadd.s32 $0xFFFFFF00  }
0xbe: {  	[tilespmem:s22], [sflag:$0x3] =	stream.indirect.gather [hbm4b:s1+s29], $0x80, s4, s29, $0xb8;
	[tilespmem:$0x1AC00] =	vst v63  }
0xbf: {  	s10 =	sadd.s32 $0x4, s10;
	s15 =	sand.u32 $0x7C00, s11;
	_ =	swait.ge [sflag:s7], $0x3200  }
0xc0: {  	s11 =	sand.u32 $0x300, s11;
	s17 =	sadd.s32 s9, s15;
	[sflag:s7] =	ssyncset.done $0x0  }
.Ltmp1:
0xc1: {  	s13 =	rddreg [dreg:$0x6];
	[sflag:s7] =	ssyncadd.s32 $0xFFFFCE00;
	(pc) =	sbr.rel @p0 .LBB2_4-.Ltmp1, $4  }
0xc2: {  	[spmem:s3] =	stream.indirect.scatter.add.f32 [tilespmem:s31], [sflag:$0x5], $0x80, s13, s29, $0xb8;
	[tilespmem:$0x1AC00] =	vst v63  }
0xc3: {  	s12 =	sor.u32 s11, s17;
	s13 =	sadd.s32 s14, s15;
	_ =	swait.ge [sflag:s0], $0x3200  }
0xc4: {  	s12 =	sshrl.u32 s12, $0x3;
	s11 =	sor.u32 s11, s13;
	[sflag:s0] =	ssyncset.done $0x0  }
0xc5: {  	s12 =	sadd.s32 s5, s12;
	s13 =	sshrl.u32 s11, $0x3;
	[sflag:s0] =	ssyncadd.s32 $0xFFFFCE00  }
0xc6: {  	[tilespmem:s31], [sflag:$0x4] =	stream.indirect.gather [hbm4b:s1+s29], $0x80, s30, s29, $0xb8;
	[tilespmem:$0x1AC00] =	vst v63  }
0xc7: {  	_ = 	snop  }
0xc8: {  	[tilespmem:s25], [sflag:$0x2] =	stream.linear.gather [hbm4b:s12+s4], $0x100, $0x38;
	[tilespmem:$0x1AC00] =	vst v63  }
0xc9: {  	s10 =	sadd.s32 s5, s13  }
0xca: {  	[tilespmem:s26], [sflag:$0x2] =	stream.linear.gather [hbm4b:s10+s4], $0x100, $0x38;
	[tilespmem:$0x1AC00] =	vst v63  }
0xcb: {  	_ =	swait.ge [sflag:s23], $0x3200  }
0xcc: {  	[sflag:s23] =	ssyncset.done $0x0  }
0xcd: {  	[sflag:s23] =	ssyncadd.s32 $0xFFFFCE00  }
0xce: {  	_ =	swait.ge [sflag:s7], $0x3200  }
0xcf: {  	[sflag:s7] =	ssyncset.done $0x0  }
0xd0: {  	[sflag:s7] =	ssyncadd.s32 $0xFFFFCE00  }
0xd1: {  	_ =	swait.ge [sflag:s2], $0x100  }
0xd2: {  	[sflag:s2] =	ssyncset.done $0x0  }
0xd3: {  	[sflag:s2] =	ssyncadd.s32 $0xFFFFFF00  }
0xd4: {  	s17 =	stileid.u32;
	_ =	swait.ge [sflag:s2], $0x100  }
0xd5: {  	s11 =	sshrl.u32 s6, $0x3;
	s8 =	sadd.s32 $0x1, s8;
	[sflag:s2] =	ssyncset.done $0x0  }
0xd6: {  	p0 =	sne.s32 s8, s21;
	s10 =	sshll.u32 s17, $0x6;
	[sflag:s2] =	ssyncadd.s32 $0xFFFFFF00  }
.Ltmp2:
0xd7: {  	s10 =	sor.u32 $0x1C05, s10;
	[bflag:$0x0] =	sbarrier.arrive $0xFFFF;
	(pc) =	sbr.rel @p0 .LBB2_1-.Ltmp2, $4  }
0xd8: {  	[hbm:s20], [sflag:s10] =	dma.local [spmem:s11], $0x2800  }
0xd9: {  	_ =	swait.ge [sflag:s0], $0x2800  }
0xda: {  	[sflag:s0] =	ssyncset.done $0x0  }
0xdb: {  	[sflag:s0] =	ssyncadd.s32 $0xFFFFD800  }
0xdc: {  	_ =	sfence.sel $0x180000  }
0xdd: {  	[bflag:$0x0] =	sbarrier.arrive $0xFFFF  }
0xde: {  	_ =	strace $0x90000047  }
0xdf: {  	s0 =	stileid.u32;
	[bflag:$0x2] =	sbarrier.arrive $0xFFFF  }
0xe0: {  	p0 =	sne.s32 s0, $0x0;
	s0 =	rddreg [dreg:$0x3]  }
0xe1: {  	s0 =	sadd.s32 @!p0 $0x100000, s0  }
0xe2: {  	[sflag:s0] =	ssyncadd.tile.s32 @!p0 $0x1;
	_ =	shalt  }
.Lfunc_end2:
_tile_overlayer_lowered:
.L_overlay_start_2:
0xe3: {  	(tag) =	ssettag $0x2  }
0xe4: {  	s0 =	rddreg [dreg:$0x0];
	s2 =	stileid.u32  }
0xe5: {  	s1 =	rddreg [dreg:$0x1];
	p0 =	sne.s32 s2, $0x0  }
0xe6: {  	s3 =	rddreg [dreg:$0x2];
	[bflag:$0x3] =	sbarrier.arrive $0xFFFF;
	s2 =	simm.s32 @!p0 $0x1C05  }
0xe7: {  	[timem:s3], [sflag:s2] =	dma.local @!p0 [hbm:s0], s1  }
0xe8: {  	s0 =	simm.s32 @!p0 $0x5  }
0xe9: {  	_ =	swait.ge @!p0 [sflag:s0], s1  }
0xea: {  	s1 =	ssub.s32 @!p0 $0x0, s1;
	[sflag:s0] =	ssyncset.done @!p0 $0x0  }
0xeb: {  	[sflag:s0] =	ssyncadd.s32 @!p0 s1  }
0xec: {  	[bflag:$0x3] =	sbarrier.arrive $0xFFFF  }
0xed: {  	_ =	shalt  }

</sc_bundles>
